<compile_context>
chip_gen: v7x
topology: tpu7x:2x2x1
jax: 0.10.2.dev20260603
libtpu: 0.0.44.dev20260713+nightly
codegen_flags: <defaults>
</compile_context>

<pallas_src>
import functools

import jax
import jax.numpy as jnp
from jax.experimental import pallas as pl
from jax.experimental.pallas import tpu as pltpu
from jax.experimental.pallas import tpu_sc as plsc

_CONF_THRESH = 0.5
_IOU_THRESH = 0.3
_VAR0, _VAR1 = 0.1, 0.2
_MAX_DET = 100
_NTILES = 16
_PER = 1280
_VECS = _PER // 16


def _sc_body(n_valid,
             l0, l1, l2, l3, c1, p0, p1, p2, p3,
             out_hbm,
             s_ref, x1_ref, y1_ref, x2_ref, y2_ref, ar_ref,
             i0, i1, i2, i3, i4, i5, i6, i7, i8,
             tab_ref, row_ref, outl_ref,
             shtab_ref,
             ):
    t = jax.lax.axis_index("s")
    base = t * _PER

    srcs = (l0, l1, l2, l3, c1, p0, p1, p2, p3)
    dsts = (i0, i1, i2, i3, i4, i5, i6, i7, i8)
    for src, dst in zip(srcs, dsts):
        pltpu.sync_copy(src.at[pl.ds(base, _PER)], dst)

    lane = jax.lax.iota(jnp.int32, 16)

    def decode(i, _):
        sl = pl.ds(i * 16, 16)
        p2v = i7[sl]
        p3v = i8[sl]
        cx = i5[sl] + i0[sl] * _VAR0 * p2v
        cy = i6[sl] + i1[sl] * _VAR0 * p3v
        w = p2v * jnp.exp(i2[sl] * _VAR1)
        h = p3v * jnp.exp(i3[sl] * _VAR1)
        x1 = cx - w / 2.0
        y1 = cy - h / 2.0
        x2 = cx + w / 2.0
        y2 = cy + h / 2.0
        cv = i4[sl]
        prob = 1.0 / (1.0 + jnp.exp(-cv))
        score = jnp.where(prob >= _CONF_THRESH, prob, 0.0)
        gidx = base + i * 16 + lane
        score = jnp.where(gidx < n_valid, score, 0.0)
        x1_ref[sl] = x1
        y1_ref[sl] = y1
        x2_ref[sl] = x2
        y2_ref[sl] = y2
        ar_ref[sl] = jnp.maximum(x2 - x1, 0.0) * jnp.maximum(y2 - y1, 0.0)
        s_ref[sl] = score
        return 0

    jax.lax.fori_loop(0, _VECS, decode, 0, unroll=4)

    bigr = jnp.int32(_VECS + 1)

    def pick(i, wcarry):
        ws, wi, wx1, wy1, wx2, wy2, war = wcarry

        def sweep(j, carry):
            m, r = carry
            sl = pl.ds(j * 16, 16)
            s = s_ref[sl]
            x1 = x1_ref[sl]
            y1 = y1_ref[sl]
            x2 = x2_ref[sl]
            y2 = y2_ref[sl]
            ar = ar_ref[sl]
            xx1 = jnp.maximum(wx1, x1)
            yy1 = jnp.maximum(wy1, y1)
            xx2 = jnp.minimum(wx2, x2)
            yy2 = jnp.minimum(wy2, y2)
            iw = jnp.maximum(xx2 - xx1, 0.0)
            ih = jnp.maximum(yy2 - yy1, 0.0)
            inter = iw * ih
            iou = inter / (war + ar - inter + 1e-9)
            gidx = base + j * 16 + lane
            supp = jnp.logical_or(iou > _IOU_THRESH, gidx == wi)
            s = jnp.where(supp, -1.0, s)
            s_ref[sl] = s
            upd = s > m
            m = jnp.where(upd, s, m)
            r = jnp.where(upd, j, r)
            return m, r

        m0 = jnp.full((16,), -2.0, jnp.float32)
        r0 = jnp.full((16,), bigr, jnp.int32)
        m, r = jax.lax.fori_loop(0, _VECS, sweep, (m0, r0), unroll=4)

        def bfly(v, op):
            for sh in (8, 4, 2, 1):
                v = op(v, v.at[lane ^ sh].get(mode='promise_in_bounds'))
            return v

        mm = bfly(m, jnp.maximum)
        ls = mm[0]
        rmask = m == mm
        rv = bfly(jnp.where(rmask, r, bigr), jnp.minimum)
        rbest = rv[0]
        lmask = jnp.logical_and(rmask, r == rv)
        lv = bfly(jnp.where(lmask, lane, 127), jnp.minimum)
        lbest = lv[0]
        lidx = rbest * 16 + lbest
        zero = jnp.float32(0.0)
        rsl = pl.ds(rbest * 16, 16)
        gm = 'promise_in_bounds'
        bx1 = x1_ref[rsl].at[lv].get(mode=gm)[0]
        by1 = y1_ref[rsl].at[lv].get(mode=gm)[0]
        bx2 = x2_ref[rsl].at[lv].get(mode=gm)[0]
        by2 = y2_ref[rsl].at[lv].get(mode=gm)[0]
        bar = ar_ref[rsl].at[lv].get(mode=gm)[0]
        rowv = (jnp.where(lane == 0, ls, zero)
                + jnp.where(lane == 1, (base + lidx).astype(jnp.float32), zero)
                + jnp.where(lane == 2, bx1, zero)
                + jnp.where(lane == 3, by1, zero)
                + jnp.where(lane == 4, bx2, zero)
                + jnp.where(lane == 5, by2, zero)
                + jnp.where(lane == 6, bar, zero))
        row_ref[...] = rowv

        off = (i % 2) * (_NTILES * 16)
        pltpu.sync_copy(row_ref, shtab_ref.at[pl.ds(off + t * 16, 16)])
        plsc.subcore_barrier()
        pltpu.sync_copy(shtab_ref.at[pl.ds(off, _NTILES * 16)], tab_ref)

        def red(u, best):
            bs, bi, bj = best
            tv = tab_ref[pl.ds(u * 16, 16)]
            cs = tv[0]
            ci = tv[1]
            better = jnp.logical_or(cs > bs,
                                    jnp.logical_and(cs == bs, ci < bi))
            return (jnp.where(better, cs, bs),
                    jnp.where(better, ci, bi),
                    jnp.where(better, u, bj))

        bs, bi, bj = jax.lax.fori_loop(
            0, _NTILES, red,
            (jnp.float32(-3.0), jnp.float32(3.0e7), jnp.int32(0)))

        tvb = tab_ref[pl.ds(bj * 16, 16)]
        nwx1 = tvb[2]
        nwy1 = tvb[3]
        nwx2 = tvb[4]
        nwy2 = tvb[5]
        nwar = tvb[6]
        valid = bs > 0.0

        @pl.when(t == 0)
        def _():
            rowv = (jnp.where(lane == 0, nwx1, zero)
                    + jnp.where(lane == 1, nwy1, zero)
                    + jnp.where(lane == 2, nwx2, zero)
                    + jnp.where(lane == 3, nwy2, zero)
                    + jnp.where(lane == 4, bs, zero))
            outl_ref[pl.ds(i * 16, 16)] = jnp.where(
                valid, rowv, jnp.full((16,), 0.0, jnp.float32))

        return (bs, bi.astype(jnp.int32), nwx1, nwy1, nwx2, nwy2, nwar)

    init = (jnp.float32(0.0), jnp.int32(-1),
            jnp.float32(0.0), jnp.float32(0.0),
            jnp.float32(0.0), jnp.float32(0.0), jnp.float32(0.0))
    jax.lax.fori_loop(0, _MAX_DET, pick, init)

    @pl.when(t == 0)
    def _():
        pltpu.sync_copy(outl_ref, out_hbm)


@jax.jit
def kernel(loc, conf, priors):
    n = loc.shape[0]
    n_pad = _NTILES * _PER

    def col(a, j, fill):
        c = a[:, j]
        return jnp.concatenate([c, jnp.full((n_pad - n,), fill, c.dtype)])

    args = (
        col(loc, 0, 0.0), col(loc, 1, 0.0), col(loc, 2, 0.0), col(loc, 3, 0.0),
        col(conf, 1, -1e9),
        col(priors, 0, 0.0), col(priors, 1, 0.0), col(priors, 2, 0.0), col(priors, 3, 0.0),
    )

    scratch = [
        pltpu.VMEM((_PER,), jnp.float32),
        pltpu.VMEM((_PER,), jnp.float32),
        pltpu.VMEM((_PER,), jnp.float32),
        pltpu.VMEM((_PER,), jnp.float32),
        pltpu.VMEM((_PER,), jnp.float32),
        pltpu.VMEM((_PER,), jnp.float32),
    ] + [pltpu.VMEM((_PER,), jnp.float32)] * 9 + [
        pltpu.VMEM((_NTILES * 16,), jnp.float32),
        pltpu.VMEM((16,), jnp.float32),
        pltpu.VMEM((_MAX_DET * 16,), jnp.float32),
        pltpu.VMEM_SHARED((2 * _NTILES * 16,), jnp.float32),
    ]

    out = pl.kernel(
        functools.partial(_sc_body, n),
        out_type=jax.ShapeDtypeStruct((_MAX_DET * 16,), jnp.float32),
        mesh=plsc.VectorSubcoreMesh(
            core_axis_name="c", subcore_axis_name="s", num_cores=1),
        scratch_types=scratch,
    )(*args)
    return out.reshape(_MAX_DET, 16)[:, :5]

# --- scband reference (transcript-rebuilt; emitter-appended) ---
"""Pipeline reference for scband-retina-face-detector-29618094473286 (READ-ONLY COPY).

The authoritative reference and input builder live on the scoring server;
editing this copy changes nothing except your own understanding.
"""

import jax, jax.numpy as jnp
import numpy as np

CONF_THRESH = 0.5
IOU_THRESH = 0.3
VAR0, VAR1 = 0.1, 0.2
MAX_DET = 100
N = 20000


def setup_inputs(seed: int = 0) -> dict:
    key = jax.random.key(seed)
    k1, k2, k3 = jax.random.split(key, 3)
    loc = jax.random.normal(k1, (N, 4), dtype=jnp.float32)
    conf = jax.random.normal(k2, (N, 2), dtype=jnp.float32)
    priors = jax.random.uniform(k3, (N, 4), dtype=jnp.float32)
    return {"loc": loc, "conf": conf, "priors": priors}


def _decode(loc, priors):
    # SSD-style decode (batched_decode in the torch module), priors in center form
    cxcy = priors[:, :2] + loc[:, :2] * VAR0 * priors[:, 2:]
    wh = priors[:, 2:] * jnp.exp(loc[:, 2:] * VAR1)
    x1y1 = cxcy - wh / 2.0
    x2y2 = cxcy + wh / 2.0
    return jnp.concatenate([x1y1, x2y2], axis=1)


def _nms(boxes, scores, iou_thresh, max_det):
    areas = jnp.clip(boxes[:, 2] - boxes[:, 0], 0) * jnp.clip(boxes[:, 3] - boxes[:, 1], 0)

    def step(s, _):
        idx = jnp.argmax(s)
        sc = s[idx]
        box = boxes[idx]
        xx1 = jnp.maximum(box[0], boxes[:, 0])
        yy1 = jnp.maximum(box[1], boxes[:, 1])
        xx2 = jnp.minimum(box[2], boxes[:, 2])
        yy2 = jnp.minimum(box[3], boxes[:, 3])
        w = jnp.clip(xx2 - xx1, 0)
        h = jnp.clip(yy2 - yy1, 0)
        inter = w * h
        iou = inter / (areas[idx] + areas - inter + 1e-9)
        suppress = iou > iou_thresh
        s_new = jnp.where(suppress, -1.0, s)
        s_new = s_new.at[idx].set(-1.0)
        valid = sc > 0.0
        out_box = jnp.where(valid, box, jnp.zeros_like(box))
        out_score = jnp.where(valid, sc, jnp.zeros_like(sc))
        return s_new, (out_box, out_score)

    _, (kept_boxes, kept_scores) = jax.lax.scan(step, scores, None, length=max_det)
    return kept_boxes, kept_scores


def reference(loc, conf, priors):
    boxes = _decode(loc, priors)
    probs = jax.nn.sigmoid(conf[:, 1])
    # confidence threshold (mask instead of boolean compaction for static shapes)
    scores = jnp.where(probs >= CONF_THRESH, probs, 0.0)
    kept_boxes, kept_scores = _nms(boxes, scores, IOU_THRESH, MAX_DET)
    return jnp.concatenate([kept_boxes, kept_scores[:, None]], axis=1)

if __name__ == "__main__":
    import jax
    _d = setup_inputs()
    print(jax.jit(kernel)(*tuple(_d.values())))

</pallas_src>

<mosaic_0001>
#map = affine_map<(d0, d1) -> (0)>
module attributes {stable_mosaic.version = 14 : i64} {
  func.func @_sc_body(%arg0: i32, %arg1: i32, %arg2: memref<20480xf32, #tpu.memory_space<hbm>>, %arg3: memref<20480xf32, #tpu.memory_space<hbm>>, %arg4: memref<20480xf32, #tpu.memory_space<hbm>>, %arg5: memref<20480xf32, #tpu.memory_space<hbm>>, %arg6: memref<20480xf32, #tpu.memory_space<hbm>>, %arg7: memref<20480xf32, #tpu.memory_space<hbm>>, %arg8: memref<20480xf32, #tpu.memory_space<hbm>>, %arg9: memref<20480xf32, #tpu.memory_space<hbm>>, %arg10: memref<20480xf32, #tpu.memory_space<hbm>>, %arg11: memref<1600xf32, #tpu.memory_space<hbm>>, %arg12: memref<1280xf32, #tpu.memory_space<vmem>>, %arg13: memref<1280xf32, #tpu.memory_space<vmem>>, %arg14: memref<1280xf32, #tpu.memory_space<vmem>>, %arg15: memref<1280xf32, #tpu.memory_space<vmem>>, %arg16: memref<1280xf32, #tpu.memory_space<vmem>>, %arg17: memref<1280xf32, #tpu.memory_space<vmem>>, %arg18: memref<1280xf32, #tpu.memory_space<vmem>>, %arg19: memref<1280xf32, #tpu.memory_space<vmem>>, %arg20: memref<1280xf32, #tpu.memory_space<vmem>>, %arg21: memref<1280xf32, #tpu.memory_space<vmem>>, %arg22: memref<1280xf32, #tpu.memory_space<vmem>>, %arg23: memref<1280xf32, #tpu.memory_space<vmem>>, %arg24: memref<1280xf32, #tpu.memory_space<vmem>>, %arg25: memref<1280xf32, #tpu.memory_space<vmem>>, %arg26: memref<1280xf32, #tpu.memory_space<vmem>>, %arg27: memref<256xf32, #tpu.memory_space<vmem>>, %arg28: memref<16xf32, #tpu.memory_space<vmem>>, %arg29: memref<1600xf32, #tpu.memory_space<vmem>>, %arg30: memref<512xf32, #tpu.memory_space<vmem_shared>>) attributes {dimension_semantics = [#tpu.dimension_semantics<core_parallel>, #tpu.dimension_semantics<subcore_parallel>], iteration_bounds = array<i64: 1, 16>, scalar_prefetch = 0 : i64, scratch_operands = 19 : i64, tpu.core_type = #tpu.core_type<sc_vector_subcore>, window_params = [{transform_indices = #map}, {transform_indices = #map}, {transform_indices = #map}, {transform_indices = #map}, {transform_indices = #map}, {transform_indices = #map}, {transform_indices = #map}, {transform_indices = #map}, {transform_indices = #map}, {transform_indices = #map}]} {
    %mul3A = arith.constant 1280 : i32
    %mul3A_0 = arith.muli %arg1, %mul3A : i32
    "tpu.region"() ({
      %run_scoped3A = tpu.sem_alloc : memref<!tpu.dma_semaphore, #tpu.memory_space<semaphore_mem>>
      %dma_start3A = tpu.memref_slice %arg2[%mul3A_0] : memref<20480xf32, #tpu.memory_space<hbm>> -> memref<1280xf32, #tpu.memory_space<hbm>>
      %dma_start3A_23 = tpu.memref_slice %arg2[%mul3A_0] : memref<20480xf32, #tpu.memory_space<hbm>> -> memref<1280xf32, #tpu.memory_space<hbm>>
      tpu.enqueue_dma source(%dma_start3A_23 : memref<1280xf32, #tpu.memory_space<hbm>>) target(%arg18 : memref<1280xf32, #tpu.memory_space<vmem>>) target_semaphore(%run_scoped3A : memref<!tpu.dma_semaphore, #tpu.memory_space<semaphore_mem>>)
      %dma_wait3A = tpu.memref_slice %arg2[%mul3A_0] : memref<20480xf32, #tpu.memory_space<hbm>> -> memref<1280xf32, #tpu.memory_space<hbm>>
      %dma_wait3A_24 = tpu.memref_slice %arg2[%mul3A_0] : memref<20480xf32, #tpu.memory_space<hbm>> -> memref<1280xf32, #tpu.memory_space<hbm>>
      tpu.wait_dma2 semaphore(%run_scoped3A : memref<!tpu.dma_semaphore, #tpu.memory_space<semaphore_mem>>) src(%dma_wait3A_24 : memref<1280xf32, #tpu.memory_space<hbm>>) dst(%arg18 : memref<1280xf32, #tpu.memory_space<vmem>>)
      tpu.yield
    }) : () -> ()
    "tpu.region"() ({
      %run_scoped3A = tpu.sem_alloc : memref<!tpu.dma_semaphore, #tpu.memory_space<semaphore_mem>>
      %dma_start3A = tpu.memref_slice %arg3[%mul3A_0] : memref<20480xf32, #tpu.memory_space<hbm>> -> memref<1280xf32, #tpu.memory_space<hbm>>
      %dma_start3A_23 = tpu.memref_slice %arg3[%mul3A_0] : memref<20480xf32, #tpu.memory_space<hbm>> -> memref<1280xf32, #tpu.memory_space<hbm>>
      tpu.enqueue_dma source(%dma_start3A_23 : memref<1280xf32, #tpu.memory_space<hbm>>) target(%arg19 : memref<1280xf32, #tpu.memory_space<vmem>>) target_semaphore(%run_scoped3A : memref<!tpu.dma_semaphore, #tpu.memory_space<semaphore_mem>>)
      %dma_wait3A = tpu.memref_slice %arg3[%mul3A_0] : memref<20480xf32, #tpu.memory_space<hbm>> -> memref<1280xf32, #tpu.memory_space<hbm>>
      %dma_wait3A_24 = tpu.memref_slice %arg3[%mul3A_0] : memref<20480xf32, #tpu.memory_space<hbm>> -> memref<1280xf32, #tpu.memory_space<hbm>>
      tpu.wait_dma2 semaphore(%run_scoped3A : memref<!tpu.dma_semaphore, #tpu.memory_space<semaphore_mem>>) src(%dma_wait3A_24 : memref<1280xf32, #tpu.memory_space<hbm>>) dst(%arg19 : memref<1280xf32, #tpu.memory_space<vmem>>)
      tpu.yield
    }) : () -> ()
    "tpu.region"() ({
      %run_scoped3A = tpu.sem_alloc : memref<!tpu.dma_semaphore, #tpu.memory_space<semaphore_mem>>
      %dma_start3A = tpu.memref_slice %arg4[%mul3A_0] : memref<20480xf32, #tpu.memory_space<hbm>> -> memref<1280xf32, #tpu.memory_space<hbm>>
      %dma_start3A_23 = tpu.memref_slice %arg4[%mul3A_0] : memref<20480xf32, #tpu.memory_space<hbm>> -> memref<1280xf32, #tpu.memory_space<hbm>>
      tpu.enqueue_dma source(%dma_start3A_23 : memref<1280xf32, #tpu.memory_space<hbm>>) target(%arg20 : memref<1280xf32, #tpu.memory_space<vmem>>) target_semaphore(%run_scoped3A : memref<!tpu.dma_semaphore, #tpu.memory_space<semaphore_mem>>)
      %dma_wait3A = tpu.memref_slice %arg4[%mul3A_0] : memref<20480xf32, #tpu.memory_space<hbm>> -> memref<1280xf32, #tpu.memory_space<hbm>>
      %dma_wait3A_24 = tpu.memref_slice %arg4[%mul3A_0] : memref<20480xf32, #tpu.memory_space<hbm>> -> memref<1280xf32, #tpu.memory_space<hbm>>
      tpu.wait_dma2 semaphore(%run_scoped3A : memref<!tpu.dma_semaphore, #tpu.memory_space<semaphore_mem>>) src(%dma_wait3A_24 : memref<1280xf32, #tpu.memory_space<hbm>>) dst(%arg20 : memref<1280xf32, #tpu.memory_space<vmem>>)
      tpu.yield
    }) : () -> ()
    "tpu.region"() ({
      %run_scoped3A = tpu.sem_alloc : memref<!tpu.dma_semaphore, #tpu.memory_space<semaphore_mem>>
      %dma_start3A = tpu.memref_slice %arg5[%mul3A_0] : memref<20480xf32, #tpu.memory_space<hbm>> -> memref<1280xf32, #tpu.memory_space<hbm>>
      %dma_start3A_23 = tpu.memref_slice %arg5[%mul3A_0] : memref<20480xf32, #tpu.memory_space<hbm>> -> memref<1280xf32, #tpu.memory_space<hbm>>
      tpu.enqueue_dma source(%dma_start3A_23 : memref<1280xf32, #tpu.memory_space<hbm>>) target(%arg21 : memref<1280xf32, #tpu.memory_space<vmem>>) target_semaphore(%run_scoped3A : memref<!tpu.dma_semaphore, #tpu.memory_space<semaphore_mem>>)
      %dma_wait3A = tpu.memref_slice %arg5[%mul3A_0] : memref<20480xf32, #tpu.memory_space<hbm>> -> memref<1280xf32, #tpu.memory_space<hbm>>
      %dma_wait3A_24 = tpu.memref_slice %arg5[%mul3A_0] : memref<20480xf32, #tpu.memory_space<hbm>> -> memref<1280xf32, #tpu.memory_space<hbm>>
      tpu.wait_dma2 semaphore(%run_scoped3A : memref<!tpu.dma_semaphore, #tpu.memory_space<semaphore_mem>>) src(%dma_wait3A_24 : memref<1280xf32, #tpu.memory_space<hbm>>) dst(%arg21 : memref<1280xf32, #tpu.memory_space<vmem>>)
      tpu.yield
    }) : () -> ()
    "tpu.region"() ({
      %run_scoped3A = tpu.sem_alloc : memref<!tpu.dma_semaphore, #tpu.memory_space<semaphore_mem>>
      %dma_start3A = tpu.memref_slice %arg6[%mul3A_0] : memref<20480xf32, #tpu.memory_space<hbm>> -> memref<1280xf32, #tpu.memory_space<hbm>>
      %dma_start3A_23 = tpu.memref_slice %arg6[%mul3A_0] : memref<20480xf32, #tpu.memory_space<hbm>> -> memref<1280xf32, #tpu.memory_space<hbm>>
      tpu.enqueue_dma source(%dma_start3A_23 : memref<1280xf32, #tpu.memory_space<hbm>>) target(%arg22 : memref<1280xf32, #tpu.memory_space<vmem>>) target_semaphore(%run_scoped3A : memref<!tpu.dma_semaphore, #tpu.memory_space<semaphore_mem>>)
      %dma_wait3A = tpu.memref_slice %arg6[%mul3A_0] : memref<20480xf32, #tpu.memory_space<hbm>> -> memref<1280xf32, #tpu.memory_space<hbm>>
      %dma_wait3A_24 = tpu.memref_slice %arg6[%mul3A_0] : memref<20480xf32, #tpu.memory_space<hbm>> -> memref<1280xf32, #tpu.memory_space<hbm>>
      tpu.wait_dma2 semaphore(%run_scoped3A : memref<!tpu.dma_semaphore, #tpu.memory_space<semaphore_mem>>) src(%dma_wait3A_24 : memref<1280xf32, #tpu.memory_space<hbm>>) dst(%arg22 : memref<1280xf32, #tpu.memory_space<vmem>>)
      tpu.yield
    }) : () -> ()
    "tpu.region"() ({
      %run_scoped3A = tpu.sem_alloc : memref<!tpu.dma_semaphore, #tpu.memory_space<semaphore_mem>>
      %dma_start3A = tpu.memref_slice %arg7[%mul3A_0] : memref<20480xf32, #tpu.memory_space<hbm>> -> memref<1280xf32, #tpu.memory_space<hbm>>
      %dma_start3A_23 = tpu.memref_slice %arg7[%mul3A_0] : memref<20480xf32, #tpu.memory_space<hbm>> -> memref<1280xf32, #tpu.memory_space<hbm>>
      tpu.enqueue_dma source(%dma_start3A_23 : memref<1280xf32, #tpu.memory_space<hbm>>) target(%arg23 : memref<1280xf32, #tpu.memory_space<vmem>>) target_semaphore(%run_scoped3A : memref<!tpu.dma_semaphore, #tpu.memory_space<semaphore_mem>>)
      %dma_wait3A = tpu.memref_slice %arg7[%mul3A_0] : memref<20480xf32, #tpu.memory_space<hbm>> -> memref<1280xf32, #tpu.memory_space<hbm>>
      %dma_wait3A_24 = tpu.memref_slice %arg7[%mul3A_0] : memref<20480xf32, #tpu.memory_space<hbm>> -> memref<1280xf32, #tpu.memory_space<hbm>>
      tpu.wait_dma2 semaphore(%run_scoped3A : memref<!tpu.dma_semaphore, #tpu.memory_space<semaphore_mem>>) src(%dma_wait3A_24 : memref<1280xf32, #tpu.memory_space<hbm>>) dst(%arg23 : memref<1280xf32, #tpu.memory_space<vmem>>)
      tpu.yield
    }) : () -> ()
    "tpu.region"() ({
      %run_scoped3A = tpu.sem_alloc : memref<!tpu.dma_semaphore, #tpu.memory_space<semaphore_mem>>
      %dma_start3A = tpu.memref_slice %arg8[%mul3A_0] : memref<20480xf32, #tpu.memory_space<hbm>> -> memref<1280xf32, #tpu.memory_space<hbm>>
      %dma_start3A_23 = tpu.memref_slice %arg8[%mul3A_0] : memref<20480xf32, #tpu.memory_space<hbm>> -> memref<1280xf32, #tpu.memory_space<hbm>>
      tpu.enqueue_dma source(%dma_start3A_23 : memref<1280xf32, #tpu.memory_space<hbm>>) target(%arg24 : memref<1280xf32, #tpu.memory_space<vmem>>) target_semaphore(%run_scoped3A : memref<!tpu.dma_semaphore, #tpu.memory_space<semaphore_mem>>)
      %dma_wait3A = tpu.memref_slice %arg8[%mul3A_0] : memref<20480xf32, #tpu.memory_space<hbm>> -> memref<1280xf32, #tpu.memory_space<hbm>>
      %dma_wait3A_24 = tpu.memref_slice %arg8[%mul3A_0] : memref<20480xf32, #tpu.memory_space<hbm>> -> memref<1280xf32, #tpu.memory_space<hbm>>
      tpu.wait_dma2 semaphore(%run_scoped3A : memref<!tpu.dma_semaphore, #tpu.memory_space<semaphore_mem>>) src(%dma_wait3A_24 : memref<1280xf32, #tpu.memory_space<hbm>>) dst(%arg24 : memref<1280xf32, #tpu.memory_space<vmem>>)
      tpu.yield
    }) : () -> ()
    "tpu.region"() ({
      %run_scoped3A = tpu.sem_alloc : memref<!tpu.dma_semaphore, #tpu.memory_space<semaphore_mem>>
      %dma_start3A = tpu.memref_slice %arg9[%mul3A_0] : memref<20480xf32, #tpu.memory_space<hbm>> -> memref<1280xf32, #tpu.memory_space<hbm>>
      %dma_start3A_23 = tpu.memref_slice %arg9[%mul3A_0] : memref<20480xf32, #tpu.memory_space<hbm>> -> memref<1280xf32, #tpu.memory_space<hbm>>
      tpu.enqueue_dma source(%dma_start3A_23 : memref<1280xf32, #tpu.memory_space<hbm>>) target(%arg25 : memref<1280xf32, #tpu.memory_space<vmem>>) target_semaphore(%run_scoped3A : memref<!tpu.dma_semaphore, #tpu.memory_space<semaphore_mem>>)
      %dma_wait3A = tpu.memref_slice %arg9[%mul3A_0] : memref<20480xf32, #tpu.memory_space<hbm>> -> memref<1280xf32, #tpu.memory_space<hbm>>
      %dma_wait3A_24 = tpu.memref_slice %arg9[%mul3A_0] : memref<20480xf32, #tpu.memory_space<hbm>> -> memref<1280xf32, #tpu.memory_space<hbm>>
      tpu.wait_dma2 semaphore(%run_scoped3A : memref<!tpu.dma_semaphore, #tpu.memory_space<semaphore_mem>>) src(%dma_wait3A_24 : memref<1280xf32, #tpu.memory_space<hbm>>) dst(%arg25 : memref<1280xf32, #tpu.memory_space<vmem>>)
      tpu.yield
    }) : () -> ()
    "tpu.region"() ({
      %run_scoped3A = tpu.sem_alloc : memref<!tpu.dma_semaphore, #tpu.memory_space<semaphore_mem>>
      %dma_start3A = tpu.memref_slice %arg10[%mul3A_0] : memref<20480xf32, #tpu.memory_space<hbm>> -> memref<1280xf32, #tpu.memory_space<hbm>>
      %dma_start3A_23 = tpu.memref_slice %arg10[%mul3A_0] : memref<20480xf32, #tpu.memory_space<hbm>> -> memref<1280xf32, #tpu.memory_space<hbm>>
      tpu.enqueue_dma source(%dma_start3A_23 : memref<1280xf32, #tpu.memory_space<hbm>>) target(%arg26 : memref<1280xf32, #tpu.memory_space<vmem>>) target_semaphore(%run_scoped3A : memref<!tpu.dma_semaphore, #tpu.memory_space<semaphore_mem>>)
      %dma_wait3A = tpu.memref_slice %arg10[%mul3A_0] : memref<20480xf32, #tpu.memory_space<hbm>> -> memref<1280xf32, #tpu.memory_space<hbm>>
      %dma_wait3A_24 = tpu.memref_slice %arg10[%mul3A_0] : memref<20480xf32, #tpu.memory_space<hbm>> -> memref<1280xf32, #tpu.memory_space<hbm>>
      tpu.wait_dma2 semaphore(%run_scoped3A : memref<!tpu.dma_semaphore, #tpu.memory_space<semaphore_mem>>) src(%dma_wait3A_24 : memref<1280xf32, #tpu.memory_space<hbm>>) dst(%arg26 : memref<1280xf32, #tpu.memory_space<vmem>>)
      tpu.yield
    }) : () -> ()
    %iota3A = tpu.iota {dimensions = array<i32: 0>} : vector<16xi32>
    %scan3A = arith.constant 0 : i32
    %scan3A_1 = arith.constant 0 : i32
    %scan3A_2 = arith.constant 80 : i32
    %scan3A_3 = arith.addi %scan3A_1, %scan3A_2 : i32
    %scan3A_4 = arith.constant 4 : i32
    %scan3A_5 = scf.for %scan3A_23 = %scan3A_1 to %scan3A_3 step %scan3A_4 iter_args(%scan3A_24 = %scan3A) -> (i32)  : i32 {
      %mul3A_25 = arith.constant 16 : i32
      %mul3A_26 = arith.muli %scan3A_23, %mul3A_25 : i32
      %get3A = arith.index_cast %mul3A_26 : i32 to index
      %get3A_27 = tpu.vector_load %arg25[%get3A] {strides = array<i32>} : memref<1280xf32, #tpu.memory_space<vmem>>, vector<16xf32>,
      %get3A_28 = vector.shape_cast %get3A_27 : vector<16xf32> to vector<16xf32>
      %get3A_29 = arith.index_cast %mul3A_26 : i32 to index
      %get3A_30 = tpu.vector_load %arg26[%get3A_29] {strides = array<i32>} : memref<1280xf32, #tpu.memory_space<vmem>>, vector<16xf32>,
      %get3A_31 = vector.shape_cast %get3A_30 : vector<16xf32> to vector<16xf32>
      %get3A_32 = arith.index_cast %mul3A_26 : i32 to index
      %get3A_33 = tpu.vector_load %arg23[%get3A_32] {strides = array<i32>} : memref<1280xf32, #tpu.memory_space<vmem>>, vector<16xf32>,
      %get3A_34 = vector.shape_cast %get3A_33 : vector<16xf32> to vector<16xf32>
      %get3A_35 = arith.index_cast %mul3A_26 : i32 to index
      %get3A_36 = tpu.vector_load %arg18[%get3A_35] {strides = array<i32>} : memref<1280xf32, #tpu.memory_space<vmem>>, vector<16xf32>,
      %get3A_37 = vector.shape_cast %get3A_36 : vector<16xf32> to vector<16xf32>
      %mul3A_38 = arith.constant 1.000000e-01 : f32
      %mul3A_39 = vector.broadcast %mul3A_38 : f32 to vector<16xf32>
      %mul3A_40 = arith.mulf %get3A_37, %mul3A_39 : vector<16xf32>
      %mul3A_41 = arith.mulf %mul3A_40, %get3A_28 : vector<16xf32>
      %add3A = arith.addf %get3A_34, %mul3A_41 : vector<16xf32>
      %get3A_42 = arith.index_cast %mul3A_26 : i32 to index
      %get3A_43 = tpu.vector_load %arg24[%get3A_42] {strides = array<i32>} : memref<1280xf32, #tpu.memory_space<vmem>>, vector<16xf32>,
      %get3A_44 = vector.shape_cast %get3A_43 : vector<16xf32> to vector<16xf32>
      %get3A_45 = arith.index_cast %mul3A_26 : i32 to index
      %get3A_46 = tpu.vector_load %arg19[%get3A_45] {strides = array<i32>} : memref<1280xf32, #tpu.memory_space<vmem>>, vector<16xf32>,
      %get3A_47 = vector.shape_cast %get3A_46 : vector<16xf32> to vector<16xf32>
      %mul3A_48 = arith.constant 1.000000e-01 : f32
      %mul3A_49 = vector.broadcast %mul3A_48 : f32 to vector<16xf32>
      %mul3A_50 = arith.mulf %get3A_47, %mul3A_49 : vector<16xf32>
      %mul3A_51 = arith.mulf %mul3A_50, %get3A_31 : vector<16xf32>
      %add3A_52 = arith.addf %get3A_44, %mul3A_51 : vector<16xf32>
      %get3A_53 = arith.index_cast %mul3A_26 : i32 to index
      %get3A_54 = tpu.vector_load %arg20[%get3A_53] {strides = array<i32>} : memref<1280xf32, #tpu.memory_space<vmem>>, vector<16xf32>,
      %get3A_55 = vector.shape_cast %get3A_54 : vector<16xf32> to vector<16xf32>
      %mul3A_56 = arith.constant 2.000000e-01 : f32
      %mul3A_57 = vector.broadcast %mul3A_56 : f32 to vector<16xf32>
      %mul3A_58 = arith.mulf %get3A_55, %mul3A_57 : vector<16xf32>
      %exp3A = math.exp %mul3A_58 : vector<16xf32>
      %mul3A_59 = arith.mulf %get3A_28, %exp3A : vector<16xf32>
      %get3A_60 = arith.index_cast %mul3A_26 : i32 to index
      %get3A_61 = tpu.vector_load %arg21[%get3A_60] {strides = array<i32>} : memref<1280xf32, #tpu.memory_space<vmem>>, vector<16xf32>,
      %get3A_62 = vector.shape_cast %get3A_61 : vector<16xf32> to vector<16xf32>
      %mul3A_63 = arith.constant 2.000000e-01 : f32
      %mul3A_64 = vector.broadcast %mul3A_63 : f32 to vector<16xf32>
      %mul3A_65 = arith.mulf %get3A_62, %mul3A_64 : vector<16xf32>
      %exp3A_66 = math.exp %mul3A_65 : vector<16xf32>
      %mul3A_67 = arith.mulf %get3A_31, %exp3A_66 : vector<16xf32>
      %div3A = arith.constant 2.000000e+00 : f32
      %div3A_68 = vector.broadcast %div3A : f32 to vector<16xf32>
      %div3A_69 = arith.divf %mul3A_59, %div3A_68 : vector<16xf32>
      %sub3A = arith.subf %add3A, %div3A_69 : vector<16xf32>
      %div3A_70 = arith.constant 2.000000e+00 : f32
      %div3A_71 = vector.broadcast %div3A_70 : f32 to vector<16xf32>
      %div3A_72 = arith.divf %mul3A_67, %div3A_71 : vector<16xf32>
      %sub3A_73 = arith.subf %add3A_52, %div3A_72 : vector<16xf32>
      %div3A_74 = arith.constant 2.000000e+00 : f32
      %div3A_75 = vector.broadcast %div3A_74 : f32 to vector<16xf32>
      %div3A_76 = arith.divf %mul3A_59, %div3A_75 : vector<16xf32>
      %add3A_77 = arith.addf %add3A, %div3A_76 : vector<16xf32>
      %div3A_78 = arith.constant 2.000000e+00 : f32
      %div3A_79 = vector.broadcast %div3A_78 : f32 to vector<16xf32>
      %div3A_80 = arith.divf %mul3A_67, %div3A_79 : vector<16xf32>
      %add3A_81 = arith.addf %add3A_52, %div3A_80 : vector<16xf32>
      %get3A_82 = arith.index_cast %mul3A_26 : i32 to index
      %get3A_83 = tpu.vector_load %arg22[%get3A_82] {strides = array<i32>} : memref<1280xf32, #tpu.memory_space<vmem>>, vector<16xf32>,
      %get3A_84 = vector.shape_cast %get3A_83 : vector<16xf32> to vector<16xf32>
      %neg3A = arith.constant 0.000000e+00 : f32
      %neg3A_85 = vector.broadcast %neg3A : f32 to vector<16xf32>
      %neg3A_86 = arith.subf %neg3A_85, %get3A_84 : vector<16xf32>
      %exp3A_87 = math.exp %neg3A_86 : vector<16xf32>
      %add3A_88 = arith.constant 1.000000e+00 : f32
      %add3A_89 = vector.broadcast %add3A_88 : f32 to vector<16xf32>
      %add3A_90 = arith.addf %add3A_89, %exp3A_87 : vector<16xf32>
      %div3A_91 = arith.constant 1.000000e+00 : f32
      %div3A_92 = vector.broadcast %div3A_91 : f32 to vector<16xf32>
      %div3A_93 = arith.divf %div3A_92, %add3A_90 : vector<16xf32>
      %ge3A = arith.constant 5.000000e-01 : f32
      %ge3A_94 = vector.broadcast %ge3A : f32 to vector<16xf32>
      %ge3A_95 = arith.cmpf oge, %div3A_93, %ge3A_94 : vector<16xf32>
      %jit3A = arith.constant 0.000000e+00 : f32
      %broadcast_in_dim3A = vector.broadcast %jit3A : f32 to vector<16xf32>
      %select_n3A = arith.select %ge3A_95, %div3A_93, %broadcast_in_dim3A : vector<16xi1>, vector<16xf32>
      %mul3A_96 = arith.constant 16 : i32
      %mul3A_97 = arith.muli %scan3A_23, %mul3A_96 : i32
      %add3A_98 = arith.addi %mul3A_0, %mul3A_97 : i32
      %add3A_99 = vector.broadcast %add3A_98 : i32 to vector<16xi32>
      %add3A_100 = arith.addi %add3A_99, %iota3A : vector<16xi32>
      %lt3A = arith.constant 20000 : i32
      %lt3A_101 = vector.broadcast %lt3A : i32 to vector<16xi32>
      %lt3A_102 = arith.cmpi slt, %add3A_100, %lt3A_101 : vector<16xi32>
      %jit3A_103 = arith.constant 0.000000e+00 : f32
      %broadcast_in_dim3A_104 = vector.broadcast %jit3A_103 : f32 to vector<16xf32>
      %select_n3A_105 = arith.select %lt3A_102, %select_n3A, %broadcast_in_dim3A_104 : vector<16xi1>, vector<16xf32>
      %swap3A = arith.index_cast %mul3A_26 : i32 to index
      %swap3A_106 = tpu.vector_load %arg13[%swap3A] {strides = array<i32>} : memref<1280xf32, #tpu.memory_space<vmem>>, vector<16xf32>,
      %swap3A_107 = vector.shape_cast %swap3A_106 : vector<16xf32> to vector<16xf32>
      %swap3A_108 = vector.shape_cast %sub3A : vector<16xf32> to vector<16xf32>
      tpu.vector_store %arg13[%swap3A], %swap3A_108 {strides = array<i32>} : memref<1280xf32, #tpu.memory_space<vmem>>, vector<16xf32>,
      %swap3A_109 = arith.index_cast %mul3A_26 : i32 to index
      %swap3A_110 = tpu.vector_load %arg14[%swap3A_109] {strides = array<i32>} : memref<1280xf32, #tpu.memory_space<vmem>>, vector<16xf32>,
      %swap3A_111 = vector.shape_cast %swap3A_110 : vector<16xf32> to vector<16xf32>
      %swap3A_112 = vector.shape_cast %sub3A_73 : vector<16xf32> to vector<16xf32>
      tpu.vector_store %arg14[%swap3A_109], %swap3A_112 {strides = array<i32>} : memref<1280xf32, #tpu.memory_space<vmem>>, vector<16xf32>,
      %swap3A_113 = arith.index_cast %mul3A_26 : i32 to index
      %swap3A_114 = tpu.vector_load %arg15[%swap3A_113] {strides = array<i32>} : memref<1280xf32, #tpu.memory_space<vmem>>, vector<16xf32>,
      %swap3A_115 = vector.shape_cast %swap3A_114 : vector<16xf32> to vector<16xf32>
      %swap3A_116 = vector.shape_cast %add3A_77 : vector<16xf32> to vector<16xf32>
      tpu.vector_store %arg15[%swap3A_113], %swap3A_116 {strides = array<i32>} : memref<1280xf32, #tpu.memory_space<vmem>>, vector<16xf32>,
      %swap3A_117 = arith.index_cast %mul3A_26 : i32 to index
      %swap3A_118 = tpu.vector_load %arg16[%swap3A_117] {strides = array<i32>} : memref<1280xf32, #tpu.memory_space<vmem>>, vector<16xf32>,
      %swap3A_119 = vector.shape_cast %swap3A_118 : vector<16xf32> to vector<16xf32>
      %swap3A_120 = vector.shape_cast %add3A_81 : vector<16xf32> to vector<16xf32>
      tpu.vector_store %arg16[%swap3A_117], %swap3A_120 {strides = array<i32>} : memref<1280xf32, #tpu.memory_space<vmem>>, vector<16xf32>,
      %sub3A_121 = arith.subf %add3A_77, %sub3A : vector<16xf32>
      %max3A = arith.constant 0.000000e+00 : f32
      %max3A_122 = vector.broadcast %max3A : f32 to vector<16xf32>
      %max3A_123 = arith.maximumf %sub3A_121, %max3A_122 : vector<16xf32>
      %sub3A_124 = arith.subf %add3A_81, %sub3A_73 : vector<16xf32>
      %max3A_125 = arith.constant 0.000000e+00 : f32
      %max3A_126 = vector.broadcast %max3A_125 : f32 to vector<16xf32>
      %max3A_127 = arith.maximumf %sub3A_124, %max3A_126 : vector<16xf32>
      %mul3A_128 = arith.mulf %max3A_123, %max3A_127 : vector<16xf32>
      %swap3A_129 = arith.index_cast %mul3A_26 : i32 to index
      %swap3A_130 = tpu.vector_load %arg17[%swap3A_129] {strides = array<i32>} : memref<1280xf32, #tpu.memory_space<vmem>>, vector<16xf32>,
      %swap3A_131 = vector.shape_cast %swap3A_130 : vector<16xf32> to vector<16xf32>
      %swap3A_132 = vector.shape_cast %mul3A_128 : vector<16xf32> to vector<16xf32>
      tpu.vector_store %arg17[%swap3A_129], %swap3A_132 {strides = array<i32>} : memref<1280xf32, #tpu.memory_space<vmem>>, vector<16xf32>,
      %swap3A_133 = arith.index_cast %mul3A_26 : i32 to index
      %swap3A_134 = tpu.vector_load %arg12[%swap3A_133] {strides = array<i32>} : memref<1280xf32, #tpu.memory_space<vmem>>, vector<16xf32>,
      %swap3A_135 = vector.shape_cast %swap3A_134 : vector<16xf32> to vector<16xf32>
      %swap3A_136 = vector.shape_cast %select_n3A_105 : vector<16xf32> to vector<16xf32>
      tpu.vector_store %arg12[%swap3A_133], %swap3A_136 {strides = array<i32>} : memref<1280xf32, #tpu.memory_space<vmem>>, vector<16xf32>,
      %scan3A_137 = arith.constant 0 : i32
      %scan3A_138 = arith.constant 1 : i32
      %scan3A_139 = arith.addi %scan3A_23, %scan3A_138 : i32
      %mul3A_140 = arith.constant 16 : i32
      %mul3A_141 = arith.muli %scan3A_139, %mul3A_140 : i32
      %get3A_142 = arith.index_cast %mul3A_141 : i32 to index
      %get3A_143 = tpu.vector_load %arg25[%get3A_142] {strides = array<i32>} : memref<1280xf32, #tpu.memory_space<vmem>>, vector<16xf32>,
      %get3A_144 = vector.shape_cast %get3A_143 : vector<16xf32> to vector<16xf32>
      %get3A_145 = arith.index_cast %mul3A_141 : i32 to index
      %get3A_146 = tpu.vector_load %arg26[%get3A_145] {strides = array<i32>} : memref<1280xf32, #tpu.memory_space<vmem>>, vector<16xf32>,
      %get3A_147 = vector.shape_cast %get3A_146 : vector<16xf32> to vector<16xf32>
      %get3A_148 = arith.index_cast %mul3A_141 : i32 to index
      %get3A_149 = tpu.vector_load %arg23[%get3A_148] {strides = array<i32>} : memref<1280xf32, #tpu.memory_space<vmem>>, vector<16xf32>,
      %get3A_150 = vector.shape_cast %get3A_149 : vector<16xf32> to vector<16xf32>
      %get3A_151 = arith.index_cast %mul3A_141 : i32 to index
      %get3A_152 = tpu.vector_load %arg18[%get3A_151] {strides = array<i32>} : memref<1280xf32, #tpu.memory_space<vmem>>, vector<16xf32>,
      %get3A_153 = vector.shape_cast %get3A_152 : vector<16xf32> to vector<16xf32>
      %mul3A_154 = arith.constant 1.000000e-01 : f32
      %mul3A_155 = vector.broadcast %mul3A_154 : f32 to vector<16xf32>
      %mul3A_156 = arith.mulf %get3A_153, %mul3A_155 : vector<16xf32>
      %mul3A_157 = arith.mulf %mul3A_156, %get3A_144 : vector<16xf32>
      %add3A_158 = arith.addf %get3A_150, %mul3A_157 : vector<16xf32>
      %get3A_159 = arith.index_cast %mul3A_141 : i32 to index
      %get3A_160 = tpu.vector_load %arg24[%get3A_159] {strides = array<i32>} : memref<1280xf32, #tpu.memory_space<vmem>>, vector<16xf32>,
      %get3A_161 = vector.shape_cast %get3A_160 : vector<16xf32> to vector<16xf32>
      %get3A_162 = arith.index_cast %mul3A_141 : i32 to index
      %get3A_163 = tpu.vector_load %arg19[%get3A_162] {strides = array<i32>} : memref<1280xf32, #tpu.memory_space<vmem>>, vector<16xf32>,
      %get3A_164 = vector.shape_cast %get3A_163 : vector<16xf32> to vector<16xf32>
      %mul3A_165 = arith.constant 1.000000e-01 : f32
      %mul3A_166 = vector.broadcast %mul3A_165 : f32 to vector<16xf32>
      %mul3A_167 = arith.mulf %get3A_164, %mul3A_166 : vector<16xf32>
      %mul3A_168 = arith.mulf %mul3A_167, %get3A_147 : vector<16xf32>
      %add3A_169 = arith.addf %get3A_161, %mul3A_168 : vector<16xf32>
      %get3A_170 = arith.index_cast %mul3A_141 : i32 to index
      %get3A_171 = tpu.vector_load %arg20[%get3A_170] {strides = array<i32>} : memref<1280xf32, #tpu.memory_space<vmem>>, vector<16xf32>,
      %get3A_172 = vector.shape_cast %get3A_171 : vector<16xf32> to vector<16xf32>
      %mul3A_173 = arith.constant 2.000000e-01 : f32
      %mul3A_174 = vector.broadcast %mul3A_173 : f32 to vector<16xf32>
      %mul3A_175 = arith.mulf %get3A_172, %mul3A_174 : vector<16xf32>
      %exp3A_176 = math.exp %mul3A_175 : vector<16xf32>
      %mul3A_177 = arith.mulf %get3A_144, %exp3A_176 : vector<16xf32>
      %get3A_178 = arith.index_cast %mul3A_141 : i32 to index
      %get3A_179 = tpu.vector_load %arg21[%get3A_178] {strides = array<i32>} : memref<1280xf32, #tpu.memory_space<vmem>>, vector<16xf32>,
      %get3A_180 = vector.shape_cast %get3A_179 : vector<16xf32> to vector<16xf32>
      %mul3A_181 = arith.constant 2.000000e-01 : f32
      %mul3A_182 = vector.broadcast %mul3A_181 : f32 to vector<16xf32>
      %mul3A_183 = arith.mulf %get3A_180, %mul3A_182 : vector<16xf32>
      %exp3A_184 = math.exp %mul3A_183 : vector<16xf32>
      %mul3A_185 = arith.mulf %get3A_147, %exp3A_184 : vector<16xf32>
      %div3A_186 = arith.constant 2.000000e+00 : f32
      %div3A_187 = vector.broadcast %div3A_186 : f32 to vector<16xf32>
      %div3A_188 = arith.divf %mul3A_177, %div3A_187 : vector<16xf32>
      %sub3A_189 = arith.subf %add3A_158, %div3A_188 : vector<16xf32>
      %div3A_190 = arith.constant 2.000000e+00 : f32
      %div3A_191 = vector.broadcast %div3A_190 : f32 to vector<16xf32>
      %div3A_192 = arith.divf %mul3A_185, %div3A_191 : vector<16xf32>
      %sub3A_193 = arith.subf %add3A_169, %div3A_192 : vector<16xf32>
      %div3A_194 = arith.constant 2.000000e+00 : f32
      %div3A_195 = vector.broadcast %div3A_194 : f32 to vector<16xf32>
      %div3A_196 = arith.divf %mul3A_177, %div3A_195 : vector<16xf32>
      %add3A_197 = arith.addf %add3A_158, %div3A_196 : vector<16xf32>
      %div3A_198 = arith.constant 2.000000e+00 : f32
      %div3A_199 = vector.broadcast %div3A_198 : f32 to vector<16xf32>
      %div3A_200 = arith.divf %mul3A_185, %div3A_199 : vector<16xf32>
      %add3A_201 = arith.addf %add3A_169, %div3A_200 : vector<16xf32>
      %get3A_202 = arith.index_cast %mul3A_141 : i32 to index
      %get3A_203 = tpu.vector_load %arg22[%get3A_202] {strides = array<i32>} : memref<1280xf32, #tpu.memory_space<vmem>>, vector<16xf32>,
      %get3A_204 = vector.shape_cast %get3A_203 : vector<16xf32> to vector<16xf32>
      %neg3A_205 = arith.constant 0.000000e+00 : f32
      %neg3A_206 = vector.broadcast %neg3A_205 : f32 to vector<16xf32>
      %neg3A_207 = arith.subf %neg3A_206, %get3A_204 : vector<16xf32>
      %exp3A_208 = math.exp %neg3A_207 : vector<16xf32>
      %add3A_209 = arith.constant 1.000000e+00 : f32
      %add3A_210 = vector.broadcast %add3A_209 : f32 to vector<16xf32>
      %add3A_211 = arith.addf %add3A_210, %exp3A_208 : vector<16xf32>
      %div3A_212 = arith.constant 1.000000e+00 : f32
      %div3A_213 = vector.broadcast %div3A_212 : f32 to vector<16xf32>
      %div3A_214 = arith.divf %div3A_213, %add3A_211 : vector<16xf32>
      %ge3A_215 = arith.constant 5.000000e-01 : f32
      %ge3A_216 = vector.broadcast %ge3A_215 : f32 to vector<16xf32>
      %ge3A_217 = arith.cmpf oge, %div3A_214, %ge3A_216 : vector<16xf32>
      %jit3A_218 = arith.constant 0.000000e+00 : f32
      %broadcast_in_dim3A_219 = vector.broadcast %jit3A_218 : f32 to vector<16xf32>
      %select_n3A_220 = arith.select %ge3A_217, %div3A_214, %broadcast_in_dim3A_219 : vector<16xi1>, vector<16xf32>
      %mul3A_221 = arith.constant 16 : i32
      %mul3A_222 = arith.muli %scan3A_139, %mul3A_221 : i32
      %add3A_223 = arith.addi %mul3A_0, %mul3A_222 : i32
      %add3A_224 = vector.broadcast %add3A_223 : i32 to vector<16xi32>
      %add3A_225 = arith.addi %add3A_224, %iota3A : vector<16xi32>
      %lt3A_226 = arith.constant 20000 : i32
      %lt3A_227 = vector.broadcast %lt3A_226 : i32 to vector<16xi32>
      %lt3A_228 = arith.cmpi slt, %add3A_225, %lt3A_227 : vector<16xi32>
      %jit3A_229 = arith.constant 0.000000e+00 : f32
      %broadcast_in_dim3A_230 = vector.broadcast %jit3A_229 : f32 to vector<16xf32>
      %select_n3A_231 = arith.select %lt3A_228, %select_n3A_220, %broadcast_in_dim3A_230 : vector<16xi1>, vector<16xf32>
      %swap3A_232 = arith.index_cast %mul3A_141 : i32 to index
      %swap3A_233 = tpu.vector_load %arg13[%swap3A_232] {strides = array<i32>} : memref<1280xf32, #tpu.memory_space<vmem>>, vector<16xf32>,
      %swap3A_234 = vector.shape_cast %swap3A_233 : vector<16xf32> to vector<16xf32>
      %swap3A_235 = vector.shape_cast %sub3A_189 : vector<16xf32> to vector<16xf32>
      tpu.vector_store %arg13[%swap3A_232], %swap3A_235 {strides = array<i32>} : memref<1280xf32, #tpu.memory_space<vmem>>, vector<16xf32>,
      %swap3A_236 = arith.index_cast %mul3A_141 : i32 to index
      %swap3A_237 = tpu.vector_load %arg14[%swap3A_236] {strides = array<i32>} : memref<1280xf32, #tpu.memory_space<vmem>>, vector<16xf32>,
      %swap3A_238 = vector.shape_cast %swap3A_237 : vector<16xf32> to vector<16xf32>
      %swap3A_239 = vector.shape_cast %sub3A_193 : vector<16xf32> to vector<16xf32>
      tpu.vector_store %arg14[%swap3A_236], %swap3A_239 {strides = array<i32>} : memref<1280xf32, #tpu.memory_space<vmem>>, vector<16xf32>,
      %swap3A_240 = arith.index_cast %mul3A_141 : i32 to index
      %swap3A_241 = tpu.vector_load %arg15[%swap3A_240] {strides = array<i32>} : memref<1280xf32, #tpu.memory_space<vmem>>, vector<16xf32>,
      %swap3A_242 = vector.shape_cast %swap3A_241 : vector<16xf32> to vector<16xf32>
      %swap3A_243 = vector.shape_cast %add3A_197 : vector<16xf32> to vector<16xf32>
      tpu.vector_store %arg15[%swap3A_240], %swap3A_243 {strides = array<i32>} : memref<1280xf32, #tpu.memory_space<vmem>>, vector<16xf32>,
      %swap3A_244 = arith.index_cast %mul3A_141 : i32 to index
      %swap3A_245 = tpu.vector_load %arg16[%swap3A_244] {strides = array<i32>} : memref<1280xf32, #tpu.memory_space<vmem>>, vector<16xf32>,
      %swap3A_246 = vector.shape_cast %swap3A_245 : vector<16xf32> to vector<16xf32>
      %swap3A_247 = vector.shape_cast %add3A_201 : vector<16xf32> to vector<16xf32>
      tpu.vector_store %arg16[%swap3A_244], %swap3A_247 {strides = array<i32>} : memref<1280xf32, #tpu.memory_space<vmem>>, vector<16xf32>,
      %sub3A_248 = arith.subf %add3A_197, %sub3A_189 : vector<16xf32>
      %max3A_249 = arith.constant 0.000000e+00 : f32
      %max3A_250 = vector.broadcast %max3A_249 : f32 to vector<16xf32>
      %max3A_251 = arith.maximumf %sub3A_248, %max3A_250 : vector<16xf32>
      %sub3A_252 = arith.subf %add3A_201, %sub3A_193 : vector<16xf32>
      %max3A_253 = arith.constant 0.000000e+00 : f32
      %max3A_254 = vector.broadcast %max3A_253 : f32 to vector<16xf32>
      %max3A_255 = arith.maximumf %sub3A_252, %max3A_254 : vector<16xf32>
      %mul3A_256 = arith.mulf %max3A_251, %max3A_255 : vector<16xf32>
      %swap3A_257 = arith.index_cast %mul3A_141 : i32 to index
      %swap3A_258 = tpu.vector_load %arg17[%swap3A_257] {strides = array<i32>} : memref<1280xf32, #tpu.memory_space<vmem>>, vector<16xf32>,
      %swap3A_259 = vector.shape_cast %swap3A_258 : vector<16xf32> to vector<16xf32>
      %swap3A_260 = vector.shape_cast %mul3A_256 : vector<16xf32> to vector<16xf32>
      tpu.vector_store %arg17[%swap3A_257], %swap3A_260 {strides = array<i32>} : memref<1280xf32, #tpu.memory_space<vmem>>, vector<16xf32>,
      %swap3A_261 = arith.index_cast %mul3A_141 : i32 to index
      %swap3A_262 = tpu.vector_load %arg12[%swap3A_261] {strides = array<i32>} : memref<1280xf32, #tpu.memory_space<vmem>>, vector<16xf32>,
      %swap3A_263 = vector.shape_cast %swap3A_262 : vector<16xf32> to vector<16xf32>
      %swap3A_264 = vector.shape_cast %select_n3A_231 : vector<16xf32> to vector<16xf32>
      tpu.vector_store %arg12[%swap3A_261], %swap3A_264 {strides = array<i32>} : memref<1280xf32, #tpu.memory_space<vmem>>, vector<16xf32>,
      %scan3A_265 = arith.constant 0 : i32
      %scan3A_266 = arith.constant 2 : i32
      %scan3A_267 = arith.addi %scan3A_23, %scan3A_266 : i32
      %mul3A_268 = arith.constant 16 : i32
      %mul3A_269 = arith.muli %scan3A_267, %mul3A_268 : i32
      %get3A_270 = arith.index_cast %mul3A_269 : i32 to index
      %get3A_271 = tpu.vector_load %arg25[%get3A_270] {strides = array<i32>} : memref<1280xf32, #tpu.memory_space<vmem>>, vector<16xf32>,
      %get3A_272 = vector.shape_cast %get3A_271 : vector<16xf32> to vector<16xf32>
      %get3A_273 = arith.index_cast %mul3A_269 : i32 to index
      %get3A_274 = tpu.vector_load %arg26[%get3A_273] {strides = array<i32>} : memref<1280xf32, #tpu.memory_space<vmem>>, vector<16xf32>,
      %get3A_275 = vector.shape_cast %get3A_274 : vector<16xf32> to vector<16xf32>
      %get3A_276 = arith.index_cast %mul3A_269 : i32 to index
      %get3A_277 = tpu.vector_load %arg23[%get3A_276] {strides = array<i32>} : memref<1280xf32, #tpu.memory_space<vmem>>, vector<16xf32>,
      %get3A_278 = vector.shape_cast %get3A_277 : vector<16xf32> to vector<16xf32>
      %get3A_279 = arith.index_cast %mul3A_269 : i32 to index
      %get3A_280 = tpu.vector_load %arg18[%get3A_279] {strides = array<i32>} : memref<1280xf32, #tpu.memory_space<vmem>>, vector<16xf32>,
      %get3A_281 = vector.shape_cast %get3A_280 : vector<16xf32> to vector<16xf32>
      %mul3A_282 = arith.constant 1.000000e-01 : f32
      %mul3A_283 = vector.broadcast %mul3A_282 : f32 to vector<16xf32>
      %mul3A_284 = arith.mulf %get3A_281, %mul3A_283 : vector<16xf32>
      %mul3A_285 = arith.mulf %mul3A_284, %get3A_272 : vector<16xf32>
      %add3A_286 = arith.addf %get3A_278, %mul3A_285 : vector<16xf32>
      %get3A_287 = arith.index_cast %mul3A_269 : i32 to index
      %get3A_288 = tpu.vector_load %arg24[%get3A_287] {strides = array<i32>} : memref<1280xf32, #tpu.memory_space<vmem>>, vector<16xf32>,
      %get3A_289 = vector.shape_cast %get3A_288 : vector<16xf32> to vector<16xf32>
      %get3A_290 = arith.index_cast %mul3A_269 : i32 to index
      %get3A_291 = tpu.vector_load %arg19[%get3A_290] {strides = array<i32>} : memref<1280xf32, #tpu.memory_space<vmem>>, vector<16xf32>,
      %get3A_292 = vector.shape_cast %get3A_291 : vector<16xf32> to vector<16xf32>
      %mul3A_293 = arith.constant 1.000000e-01 : f32
      %mul3A_294 = vector.broadcast %mul3A_293 : f32 to vector<16xf32>
      %mul3A_295 = arith.mulf %get3A_292, %mul3A_294 : vector<16xf32>
      %mul3A_296 = arith.mulf %mul3A_295, %get3A_275 : vector<16xf32>
      %add3A_297 = arith.addf %get3A_289, %mul3A_296 : vector<16xf32>
      %get3A_298 = arith.index_cast %mul3A_269 : i32 to index
      %get3A_299 = tpu.vector_load %arg20[%get3A_298] {strides = array<i32>} : memref<1280xf32, #tpu.memory_space<vmem>>, vector<16xf32>,
      %get3A_300 = vector.shape_cast %get3A_299 : vector<16xf32> to vector<16xf32>
      %mul3A_301 = arith.constant 2.000000e-01 : f32
      %mul3A_302 = vector.broadcast %mul3A_301 : f32 to vector<16xf32>
      %mul3A_303 = arith.mulf %get3A_300, %mul3A_302 : vector<16xf32>
      %exp3A_304 = math.exp %mul3A_303 : vector<16xf32>
      %mul3A_305 = arith.mulf %get3A_272, %exp3A_304 : vector<16xf32>
      %get3A_306 = arith.index_cast %mul3A_269 : i32 to index
      %get3A_307 = tpu.vector_load %arg21[%get3A_306] {strides = array<i32>} : memref<1280xf32, #tpu.memory_space<vmem>>, vector<16xf32>,
      %get3A_308 = vector.shape_cast %get3A_307 : vector<16xf32> to vector<16xf32>
      %mul3A_309 = arith.constant 2.000000e-01 : f32
      %mul3A_310 = vector.broadcast %mul3A_309 : f32 to vector<16xf32>
      %mul3A_311 = arith.mulf %get3A_308, %mul3A_310 : vector<16xf32>
      %exp3A_312 = math.exp %mul3A_311 : vector<16xf32>
      %mul3A_313 = arith.mulf %get3A_275, %exp3A_312 : vector<16xf32>
      %div3A_314 = arith.constant 2.000000e+00 : f32
      %div3A_315 = vector.broadcast %div3A_314 : f32 to vector<16xf32>
      %div3A_316 = arith.divf %mul3A_305, %div3A_315 : vector<16xf32>
      %sub3A_317 = arith.subf %add3A_286, %div3A_316 : vector<16xf32>
      %div3A_318 = arith.constant 2.000000e+00 : f32
      %div3A_319 = vector.broadcast %div3A_318 : f32 to vector<16xf32>
      %div3A_320 = arith.divf %mul3A_313, %div3A_319 : vector<16xf32>
      %sub3A_321 = arith.subf %add3A_297, %div3A_320 : vector<16xf32>
      %div3A_322 = arith.constant 2.000000e+00 : f32
      %div3A_323 = vector.broadcast %div3A_322 : f32 to vector<16xf32>
      %div3A_324 = arith.divf %mul3A_305, %div3A_323 : vector<16xf32>
      %add3A_325 = arith.addf %add3A_286, %div3A_324 : vector<16xf32>
      %div3A_326 = arith.constant 2.000000e+00 : f32
      %div3A_327 = vector.broadcast %div3A_326 : f32 to vector<16xf32>
      %div3A_328 = arith.divf %mul3A_313, %div3A_327 : vector<16xf32>
      %add3A_329 = arith.addf %add3A_297, %div3A_328 : vector<16xf32>
      %get3A_330 = arith.index_cast %mul3A_269 : i32 to index
      %get3A_331 = tpu.vector_load %arg22[%get3A_330] {strides = array<i32>} : memref<1280xf32, #tpu.memory_space<vmem>>, vector<16xf32>,
      %get3A_332 = vector.shape_cast %get3A_331 : vector<16xf32> to vector<16xf32>
      %neg3A_333 = arith.constant 0.000000e+00 : f32
      %neg3A_334 = vector.broadcast %neg3A_333 : f32 to vector<16xf32>
      %neg3A_335 = arith.subf %neg3A_334, %get3A_332 : vector<16xf32>
      %exp3A_336 = math.exp %neg3A_335 : vector<16xf32>
      %add3A_337 = arith.constant 1.000000e+00 : f32
      %add3A_338 = vector.broadcast %add3A_337 : f32 to vector<16xf32>
      %add3A_339 = arith.addf %add3A_338, %exp3A_336 : vector<16xf32>
      %div3A_340 = arith.constant 1.000000e+00 : f32
      %div3A_341 = vector.broadcast %div3A_340 : f32 to vector<16xf32>
      %div3A_342 = arith.divf %div3A_341, %add3A_339 : vector<16xf32>
      %ge3A_343 = arith.constant 5.000000e-01 : f32
      %ge3A_344 = vector.broadcast %ge3A_343 : f32 to vector<16xf32>
      %ge3A_345 = arith.cmpf oge, %div3A_342, %ge3A_344 : vector<16xf32>
      %jit3A_346 = arith.constant 0.000000e+00 : f32
      %broadcast_in_dim3A_347 = vector.broadcast %jit3A_346 : f32 to vector<16xf32>
      %select_n3A_348 = arith.select %ge3A_345, %div3A_342, %broadcast_in_dim3A_347 : vector<16xi1>, vector<16xf32>
      %mul3A_349 = arith.constant 16 : i32
      %mul3A_350 = arith.muli %scan3A_267, %mul3A_349 : i32
      %add3A_351 = arith.addi %mul3A_0, %mul3A_350 : i32
      %add3A_352 = vector.broadcast %add3A_351 : i32 to vector<16xi32>
      %add3A_353 = arith.addi %add3A_352, %iota3A : vector<16xi32>
      %lt3A_354 = arith.constant 20000 : i32
      %lt3A_355 = vector.broadcast %lt3A_354 : i32 to vector<16xi32>
      %lt3A_356 = arith.cmpi slt, %add3A_353, %lt3A_355 : vector<16xi32>
      %jit3A_357 = arith.constant 0.000000e+00 : f32
      %broadcast_in_dim3A_358 = vector.broadcast %jit3A_357 : f32 to vector<16xf32>
      %select_n3A_359 = arith.select %lt3A_356, %select_n3A_348, %broadcast_in_dim3A_358 : vector<16xi1>, vector<16xf32>
      %swap3A_360 = arith.index_cast %mul3A_269 : i32 to index
      %swap3A_361 = tpu.vector_load %arg13[%swap3A_360] {strides = array<i32>} : memref<1280xf32, #tpu.memory_space<vmem>>, vector<16xf32>,
      %swap3A_362 = vector.shape_cast %swap3A_361 : vector<16xf32> to vector<16xf32>
      %swap3A_363 = vector.shape_cast %sub3A_317 : vector<16xf32> to vector<16xf32>
      tpu.vector_store %arg13[%swap3A_360], %swap3A_363 {strides = array<i32>} : memref<1280xf32, #tpu.memory_space<vmem>>, vector<16xf32>,
      %swap3A_364 = arith.index_cast %mul3A_269 : i32 to index
      %swap3A_365 = tpu.vector_load %arg14[%swap3A_364] {strides = array<i32>} : memref<1280xf32, #tpu.memory_space<vmem>>, vector<16xf32>,
      %swap3A_366 = vector.shape_cast %swap3A_365 : vector<16xf32> to vector<16xf32>
      %swap3A_367 = vector.shape_cast %sub3A_321 : vector<16xf32> to vector<16xf32>
      tpu.vector_store %arg14[%swap3A_364], %swap3A_367 {strides = array<i32>} : memref<1280xf32, #tpu.memory_space<vmem>>, vector<16xf32>,
      %swap3A_368 = arith.index_cast %mul3A_269 : i32 to index
      %swap3A_369 = tpu.vector_load %arg15[%swap3A_368] {strides = array<i32>} : memref<1280xf32, #tpu.memory_space<vmem>>, vector<16xf32>,
      %swap3A_370 = vector.shape_cast %swap3A_369 : vector<16xf32> to vector<16xf32>
      %swap3A_371 = vector.shape_cast %add3A_325 : vector<16xf32> to vector<16xf32>
      tpu.vector_store %arg15[%swap3A_368], %swap3A_371 {strides = array<i32>} : memref<1280xf32, #tpu.memory_space<vmem>>, vector<16xf32>,
      %swap3A_372 = arith.index_cast %mul3A_269 : i32 to index
      %swap3A_373 = tpu.vector_load %arg16[%swap3A_372] {strides = array<i32>} : memref<1280xf32, #tpu.memory_space<vmem>>, vector<16xf32>,
      %swap3A_374 = vector.shape_cast %swap3A_373 : vector<16xf32> to vector<16xf32>
      %swap3A_375 = vector.shape_cast %add3A_329 : vector<16xf32> to vector<16xf32>
      tpu.vector_store %arg16[%swap3A_372], %swap3A_375 {strides = array<i32>} : memref<1280xf32, #tpu.memory_space<vmem>>, vector<16xf32>,
      %sub3A_376 = arith.subf %add3A_325, %sub3A_317 : vector<16xf32>
      %max3A_377 = arith.constant 0.000000e+00 : f32
      %max3A_378 = vector.broadcast %max3A_377 : f32 to vector<16xf32>
      %max3A_379 = arith.maximumf %sub3A_376, %max3A_378 : vector<16xf32>
      %sub3A_380 = arith.subf %add3A_329, %sub3A_321 : vector<16xf32>
      %max3A_381 = arith.constant 0.000000e+00 : f32
      %max3A_382 = vector.broadcast %max3A_381 : f32 to vector<16xf32>
      %max3A_383 = arith.maximumf %sub3A_380, %max3A_382 : vector<16xf32>
      %mul3A_384 = arith.mulf %max3A_379, %max3A_383 : vector<16xf32>
      %swap3A_385 = arith.index_cast %mul3A_269 : i32 to index
      %swap3A_386 = tpu.vector_load %arg17[%swap3A_385] {strides = array<i32>} : memref<1280xf32, #tpu.memory_space<vmem>>, vector<16xf32>,
      %swap3A_387 = vector.shape_cast %swap3A_386 : vector<16xf32> to vector<16xf32>
      %swap3A_388 = vector.shape_cast %mul3A_384 : vector<16xf32> to vector<16xf32>
      tpu.vector_store %arg17[%swap3A_385], %swap3A_388 {strides = array<i32>} : memref<1280xf32, #tpu.memory_space<vmem>>, vector<16xf32>,
      %swap3A_389 = arith.index_cast %mul3A_269 : i32 to index
      %swap3A_390 = tpu.vector_load %arg12[%swap3A_389] {strides = array<i32>} : memref<1280xf32, #tpu.memory_space<vmem>>, vector<16xf32>,
      %swap3A_391 = vector.shape_cast %swap3A_390 : vector<16xf32> to vector<16xf32>
      %swap3A_392 = vector.shape_cast %select_n3A_359 : vector<16xf32> to vector<16xf32>
      tpu.vector_store %arg12[%swap3A_389], %swap3A_392 {strides = array<i32>} : memref<1280xf32, #tpu.memory_space<vmem>>, vector<16xf32>,
      %scan3A_393 = arith.constant 0 : i32
      %scan3A_394 = arith.constant 3 : i32
      %scan3A_395 = arith.addi %scan3A_23, %scan3A_394 : i32
      %mul3A_396 = arith.constant 16 : i32
      %mul3A_397 = arith.muli %scan3A_395, %mul3A_396 : i32
      %get3A_398 = arith.index_cast %mul3A_397 : i32 to index
      %get3A_399 = tpu.vector_load %arg25[%get3A_398] {strides = array<i32>} : memref<1280xf32, #tpu.memory_space<vmem>>, vector<16xf32>,
      %get3A_400 = vector.shape_cast %get3A_399 : vector<16xf32> to vector<16xf32>
      %get3A_401 = arith.index_cast %mul3A_397 : i32 to index
      %get3A_402 = tpu.vector_load %arg26[%get3A_401] {strides = array<i32>} : memref<1280xf32, #tpu.memory_space<vmem>>, vector<16xf32>,
      %get3A_403 = vector.shape_cast %get3A_402 : vector<16xf32> to vector<16xf32>
      %get3A_404 = arith.index_cast %mul3A_397 : i32 to index
      %get3A_405 = tpu.vector_load %arg23[%get3A_404] {strides = array<i32>} : memref<1280xf32, #tpu.memory_space<vmem>>, vector<16xf32>,
      %get3A_406 = vector.shape_cast %get3A_405 : vector<16xf32> to vector<16xf32>
      %get3A_407 = arith.index_cast %mul3A_397 : i32 to index
      %get3A_408 = tpu.vector_load %arg18[%get3A_407] {strides = array<i32>} : memref<1280xf32, #tpu.memory_space<vmem>>, vector<16xf32>,
      %get3A_409 = vector.shape_cast %get3A_408 : vector<16xf32> to vector<16xf32>
      %mul3A_410 = arith.constant 1.000000e-01 : f32
      %mul3A_411 = vector.broadcast %mul3A_410 : f32 to vector<16xf32>
      %mul3A_412 = arith.mulf %get3A_409, %mul3A_411 : vector<16xf32>
      %mul3A_413 = arith.mulf %mul3A_412, %get3A_400 : vector<16xf32>
      %add3A_414 = arith.addf %get3A_406, %mul3A_413 : vector<16xf32>
      %get3A_415 = arith.index_cast %mul3A_397 : i32 to index
      %get3A_416 = tpu.vector_load %arg24[%get3A_415] {strides = array<i32>} : memref<1280xf32, #tpu.memory_space<vmem>>, vector<16xf32>,
      %get3A_417 = vector.shape_cast %get3A_416 : vector<16xf32> to vector<16xf32>
      %get3A_418 = arith.index_cast %mul3A_397 : i32 to index
      %get3A_419 = tpu.vector_load %arg19[%get3A_418] {strides = array<i32>} : memref<1280xf32, #tpu.memory_space<vmem>>, vector<16xf32>,
      %get3A_420 = vector.shape_cast %get3A_419 : vector<16xf32> to vector<16xf32>
      %mul3A_421 = arith.constant 1.000000e-01 : f32
      %mul3A_422 = vector.broadcast %mul3A_421 : f32 to vector<16xf32>
      %mul3A_423 = arith.mulf %get3A_420, %mul3A_422 : vector<16xf32>
      %mul3A_424 = arith.mulf %mul3A_423, %get3A_403 : vector<16xf32>
      %add3A_425 = arith.addf %get3A_417, %mul3A_424 : vector<16xf32>
      %get3A_426 = arith.index_cast %mul3A_397 : i32 to index
      %get3A_427 = tpu.vector_load %arg20[%get3A_426] {strides = array<i32>} : memref<1280xf32, #tpu.memory_space<vmem>>, vector<16xf32>,
      %get3A_428 = vector.shape_cast %get3A_427 : vector<16xf32> to vector<16xf32>
      %mul3A_429 = arith.constant 2.000000e-01 : f32
      %mul3A_430 = vector.broadcast %mul3A_429 : f32 to vector<16xf32>
      %mul3A_431 = arith.mulf %get3A_428, %mul3A_430 : vector<16xf32>
      %exp3A_432 = math.exp %mul3A_431 : vector<16xf32>
      %mul3A_433 = arith.mulf %get3A_400, %exp3A_432 : vector<16xf32>
      %get3A_434 = arith.index_cast %mul3A_397 : i32 to index
      %get3A_435 = tpu.vector_load %arg21[%get3A_434] {strides = array<i32>} : memref<1280xf32, #tpu.memory_space<vmem>>, vector<16xf32>,
      %get3A_436 = vector.shape_cast %get3A_435 : vector<16xf32> to vector<16xf32>
      %mul3A_437 = arith.constant 2.000000e-01 : f32
      %mul3A_438 = vector.broadcast %mul3A_437 : f32 to vector<16xf32>
      %mul3A_439 = arith.mulf %get3A_436, %mul3A_438 : vector<16xf32>
      %exp3A_440 = math.exp %mul3A_439 : vector<16xf32>
      %mul3A_441 = arith.mulf %get3A_403, %exp3A_440 : vector<16xf32>
      %div3A_442 = arith.constant 2.000000e+00 : f32
      %div3A_443 = vector.broadcast %div3A_442 : f32 to vector<16xf32>
      %div3A_444 = arith.divf %mul3A_433, %div3A_443 : vector<16xf32>
      %sub3A_445 = arith.subf %add3A_414, %div3A_444 : vector<16xf32>
      %div3A_446 = arith.constant 2.000000e+00 : f32
      %div3A_447 = vector.broadcast %div3A_446 : f32 to vector<16xf32>
      %div3A_448 = arith.divf %mul3A_441, %div3A_447 : vector<16xf32>
      %sub3A_449 = arith.subf %add3A_425, %div3A_448 : vector<16xf32>
      %div3A_450 = arith.constant 2.000000e+00 : f32
      %div3A_451 = vector.broadcast %div3A_450 : f32 to vector<16xf32>
      %div3A_452 = arith.divf %mul3A_433, %div3A_451 : vector<16xf32>
      %add3A_453 = arith.addf %add3A_414, %div3A_452 : vector<16xf32>
      %div3A_454 = arith.constant 2.000000e+00 : f32
      %div3A_455 = vector.broadcast %div3A_454 : f32 to vector<16xf32>
      %div3A_456 = arith.divf %mul3A_441, %div3A_455 : vector<16xf32>
      %add3A_457 = arith.addf %add3A_425, %div3A_456 : vector<16xf32>
      %get3A_458 = arith.index_cast %mul3A_397 : i32 to index
      %get3A_459 = tpu.vector_load %arg22[%get3A_458] {strides = array<i32>} : memref<1280xf32, #tpu.memory_space<vmem>>, vector<16xf32>,
      %get3A_460 = vector.shape_cast %get3A_459 : vector<16xf32> to vector<16xf32>
      %neg3A_461 = arith.constant 0.000000e+00 : f32
      %neg3A_462 = vector.broadcast %neg3A_461 : f32 to vector<16xf32>
      %neg3A_463 = arith.subf %neg3A_462, %get3A_460 : vector<16xf32>
      %exp3A_464 = math.exp %neg3A_463 : vector<16xf32>
      %add3A_465 = arith.constant 1.000000e+00 : f32
      %add3A_466 = vector.broadcast %add3A_465 : f32 to vector<16xf32>
      %add3A_467 = arith.addf %add3A_466, %exp3A_464 : vector<16xf32>
      %div3A_468 = arith.constant 1.000000e+00 : f32
      %div3A_469 = vector.broadcast %div3A_468 : f32 to vector<16xf32>
      %div3A_470 = arith.divf %div3A_469, %add3A_467 : vector<16xf32>
      %ge3A_471 = arith.constant 5.000000e-01 : f32
      %ge3A_472 = vector.broadcast %ge3A_471 : f32 to vector<16xf32>
      %ge3A_473 = arith.cmpf oge, %div3A_470, %ge3A_472 : vector<16xf32>
      %jit3A_474 = arith.constant 0.000000e+00 : f32
      %broadcast_in_dim3A_475 = vector.broadcast %jit3A_474 : f32 to vector<16xf32>
      %select_n3A_476 = arith.select %ge3A_473, %div3A_470, %broadcast_in_dim3A_475 : vector<16xi1>, vector<16xf32>
      %mul3A_477 = arith.constant 16 : i32
      %mul3A_478 = arith.muli %scan3A_395, %mul3A_477 : i32
      %add3A_479 = arith.addi %mul3A_0, %mul3A_478 : i32
      %add3A_480 = vector.broadcast %add3A_479 : i32 to vector<16xi32>
      %add3A_481 = arith.addi %add3A_480, %iota3A : vector<16xi32>
      %lt3A_482 = arith.constant 20000 : i32
      %lt3A_483 = vector.broadcast %lt3A_482 : i32 to vector<16xi32>
      %lt3A_484 = arith.cmpi slt, %add3A_481, %lt3A_483 : vector<16xi32>
      %jit3A_485 = arith.constant 0.000000e+00 : f32
      %broadcast_in_dim3A_486 = vector.broadcast %jit3A_485 : f32 to vector<16xf32>
      %select_n3A_487 = arith.select %lt3A_484, %select_n3A_476, %broadcast_in_dim3A_486 : vector<16xi1>, vector<16xf32>
      %swap3A_488 = arith.index_cast %mul3A_397 : i32 to index
      %swap3A_489 = tpu.vector_load %arg13[%swap3A_488] {strides = array<i32>} : memref<1280xf32, #tpu.memory_space<vmem>>, vector<16xf32>,
      %swap3A_490 = vector.shape_cast %swap3A_489 : vector<16xf32> to vector<16xf32>
      %swap3A_491 = vector.shape_cast %sub3A_445 : vector<16xf32> to vector<16xf32>
      tpu.vector_store %arg13[%swap3A_488], %swap3A_491 {strides = array<i32>} : memref<1280xf32, #tpu.memory_space<vmem>>, vector<16xf32>,
      %swap3A_492 = arith.index_cast %mul3A_397 : i32 to index
      %swap3A_493 = tpu.vector_load %arg14[%swap3A_492] {strides = array<i32>} : memref<1280xf32, #tpu.memory_space<vmem>>, vector<16xf32>,
      %swap3A_494 = vector.shape_cast %swap3A_493 : vector<16xf32> to vector<16xf32>
      %swap3A_495 = vector.shape_cast %sub3A_449 : vector<16xf32> to vector<16xf32>
      tpu.vector_store %arg14[%swap3A_492], %swap3A_495 {strides = array<i32>} : memref<1280xf32, #tpu.memory_space<vmem>>, vector<16xf32>,
      %swap3A_496 = arith.index_cast %mul3A_397 : i32 to index
      %swap3A_497 = tpu.vector_load %arg15[%swap3A_496] {strides = array<i32>} : memref<1280xf32, #tpu.memory_space<vmem>>, vector<16xf32>,
      %swap3A_498 = vector.shape_cast %swap3A_497 : vector<16xf32> to vector<16xf32>
      %swap3A_499 = vector.shape_cast %add3A_453 : vector<16xf32> to vector<16xf32>
      tpu.vector_store %arg15[%swap3A_496], %swap3A_499 {strides = array<i32>} : memref<1280xf32, #tpu.memory_space<vmem>>, vector<16xf32>,
      %swap3A_500 = arith.index_cast %mul3A_397 : i32 to index
      %swap3A_501 = tpu.vector_load %arg16[%swap3A_500] {strides = array<i32>} : memref<1280xf32, #tpu.memory_space<vmem>>, vector<16xf32>,
      %swap3A_502 = vector.shape_cast %swap3A_501 : vector<16xf32> to vector<16xf32>
      %swap3A_503 = vector.shape_cast %add3A_457 : vector<16xf32> to vector<16xf32>
      tpu.vector_store %arg16[%swap3A_500], %swap3A_503 {strides = array<i32>} : memref<1280xf32, #tpu.memory_space<vmem>>, vector<16xf32>,
      %sub3A_504 = arith.subf %add3A_453, %sub3A_445 : vector<16xf32>
      %max3A_505 = arith.constant 0.000000e+00 : f32
      %max3A_506 = vector.broadcast %max3A_505 : f32 to vector<16xf32>
      %max3A_507 = arith.maximumf %sub3A_504, %max3A_506 : vector<16xf32>
      %sub3A_508 = arith.subf %add3A_457, %sub3A_449 : vector<16xf32>
      %max3A_509 = arith.constant 0.000000e+00 : f32
      %max3A_510 = vector.broadcast %max3A_509 : f32 to vector<16xf32>
      %max3A_511 = arith.maximumf %sub3A_508, %max3A_510 : vector<16xf32>
      %mul3A_512 = arith.mulf %max3A_507, %max3A_511 : vector<16xf32>
      %swap3A_513 = arith.index_cast %mul3A_397 : i32 to index
      %swap3A_514 = tpu.vector_load %arg17[%swap3A_513] {strides = array<i32>} : memref<1280xf32, #tpu.memory_space<vmem>>, vector<16xf32>,
      %swap3A_515 = vector.shape_cast %swap3A_514 : vector<16xf32> to vector<16xf32>
      %swap3A_516 = vector.shape_cast %mul3A_512 : vector<16xf32> to vector<16xf32>
      tpu.vector_store %arg17[%swap3A_513], %swap3A_516 {strides = array<i32>} : memref<1280xf32, #tpu.memory_space<vmem>>, vector<16xf32>,
      %swap3A_517 = arith.index_cast %mul3A_397 : i32 to index
      %swap3A_518 = tpu.vector_load %arg12[%swap3A_517] {strides = array<i32>} : memref<1280xf32, #tpu.memory_space<vmem>>, vector<16xf32>,
      %swap3A_519 = vector.shape_cast %swap3A_518 : vector<16xf32> to vector<16xf32>
      %swap3A_520 = vector.shape_cast %select_n3A_487 : vector<16xf32> to vector<16xf32>
      tpu.vector_store %arg12[%swap3A_517], %swap3A_520 {strides = array<i32>} : memref<1280xf32, #tpu.memory_space<vmem>>, vector<16xf32>,
      %scan3A_521 = arith.constant 0 : i32
      scf.yield %scan3A_521 : i32
    }
    %scan3A_6 = arith.constant 80 : i32
    %scan3A_7 = arith.constant 81 : i32
    %scan3A_8 = arith.constant 0.000000e+00 : f32
    %scan3A_9 = arith.constant -1 : i32
    %scan3A_10 = arith.constant 0.000000e+00 : f32
    %scan3A_11 = arith.constant 0.000000e+00 : f32
    %scan3A_12 = arith.constant 0.000000e+00 : f32
    %scan3A_13 = arith.constant 0.000000e+00 : f32
    %scan3A_14 = arith.constant 0.000000e+00 : f32
    %scan3A_15 = arith.constant 0 : i32
    %scan3A_16 = arith.constant 100 : i32
    %scan3A_17 = arith.addi %scan3A_15, %scan3A_16 : i32
    %scan3A_18 = arith.constant 1 : i32
    %scan3A_19:7 = scf.for %scan3A_23 = %scan3A_15 to %scan3A_17 step %scan3A_18 iter_args(%scan3A_24 = %scan3A_8, %scan3A_25 = %scan3A_9, %scan3A_26 = %scan3A_10, %scan3A_27 = %scan3A_11, %scan3A_28 = %scan3A_12, %scan3A_29 = %scan3A_13, %scan3A_30 = %scan3A_14) -> (f32, i32, f32, f32, f32, f32, f32)  : i32 {
      %broadcast_in_dim3A = arith.constant -2.000000e+00 : f32
      %broadcast_in_dim3A_31 = vector.broadcast %broadcast_in_dim3A : f32 to vector<16xf32>
      %broadcast_in_dim3A_32 = vector.broadcast %scan3A_7 : i32 to vector<16xi32>
      %scan3A_33 = arith.constant 0 : i32
      %scan3A_34 = arith.constant 80 : i32
      %scan3A_35 = arith.addi %scan3A_33, %scan3A_34 : i32
      %scan3A_36 = arith.constant 4 : i32
      %scan3A_37:2 = scf.for %scan3A_400 = %scan3A_33 to %scan3A_35 step %scan3A_36 iter_args(%scan3A_401 = %broadcast_in_dim3A_31, %scan3A_402 = %broadcast_in_dim3A_32) -> (vector<16xf32>, vector<16xi32>)  : i32 {
        %mul3A_403 = arith.constant 16 : i32
        %mul3A_404 = arith.muli %scan3A_400, %mul3A_403 : i32
        %get3A_405 = arith.index_cast %mul3A_404 : i32 to index
        %get3A_406 = tpu.vector_load %arg12[%get3A_405] {strides = array<i32>} : memref<1280xf32, #tpu.memory_space<vmem>>, vector<16xf32>,
        %get3A_407 = vector.shape_cast %get3A_406 : vector<16xf32> to vector<16xf32>
        %get3A_408 = arith.index_cast %mul3A_404 : i32 to index
        %get3A_409 = tpu.vector_load %arg13[%get3A_408] {strides = array<i32>} : memref<1280xf32, #tpu.memory_space<vmem>>, vector<16xf32>,
        %get3A_410 = vector.shape_cast %get3A_409 : vector<16xf32> to vector<16xf32>
        %get3A_411 = arith.index_cast %mul3A_404 : i32 to index
        %get3A_412 = tpu.vector_load %arg14[%get3A_411] {strides = array<i32>} : memref<1280xf32, #tpu.memory_space<vmem>>, vector<16xf32>,
        %get3A_413 = vector.shape_cast %get3A_412 : vector<16xf32> to vector<16xf32>
        %get3A_414 = arith.index_cast %mul3A_404 : i32 to index
        %get3A_415 = tpu.vector_load %arg15[%get3A_414] {strides = array<i32>} : memref<1280xf32, #tpu.memory_space<vmem>>, vector<16xf32>,
        %get3A_416 = vector.shape_cast %get3A_415 : vector<16xf32> to vector<16xf32>
        %get3A_417 = arith.index_cast %mul3A_404 : i32 to index
        %get3A_418 = tpu.vector_load %arg16[%get3A_417] {strides = array<i32>} : memref<1280xf32, #tpu.memory_space<vmem>>, vector<16xf32>,
        %get3A_419 = vector.shape_cast %get3A_418 : vector<16xf32> to vector<16xf32>
        %get3A_420 = arith.index_cast %mul3A_404 : i32 to index
        %get3A_421 = tpu.vector_load %arg17[%get3A_420] {strides = array<i32>} : memref<1280xf32, #tpu.memory_space<vmem>>, vector<16xf32>,
        %get3A_422 = vector.shape_cast %get3A_421 : vector<16xf32> to vector<16xf32>
        %max3A_423 = vector.broadcast %scan3A_26 : f32 to vector<16xf32>
        %max3A_424 = arith.maximumf %max3A_423, %get3A_410 : vector<16xf32>
        %max3A_425 = vector.broadcast %scan3A_27 : f32 to vector<16xf32>
        %max3A_426 = arith.maximumf %max3A_425, %get3A_413 : vector<16xf32>
        %min3A_427 = vector.broadcast %scan3A_28 : f32 to vector<16xf32>
        %min3A_428 = arith.minimumf %min3A_427, %get3A_416 : vector<16xf32>
        %min3A_429 = vector.broadcast %scan3A_29 : f32 to vector<16xf32>
        %min3A_430 = arith.minimumf %min3A_429, %get3A_419 : vector<16xf32>
        %sub3A = arith.subf %min3A_428, %max3A_424 : vector<16xf32>
        %max3A_431 = arith.constant 0.000000e+00 : f32
        %max3A_432 = vector.broadcast %max3A_431 : f32 to vector<16xf32>
        %max3A_433 = arith.maximumf %sub3A, %max3A_432 : vector<16xf32>
        %sub3A_434 = arith.subf %min3A_430, %max3A_426 : vector<16xf32>
        %max3A_435 = arith.constant 0.000000e+00 : f32
        %max3A_436 = vector.broadcast %max3A_435 : f32 to vector<16xf32>
        %max3A_437 = arith.maximumf %sub3A_434, %max3A_436 : vector<16xf32>
        %mul3A_438 = arith.mulf %max3A_433, %max3A_437 : vector<16xf32>
        %add3A_439 = vector.broadcast %scan3A_30 : f32 to vector<16xf32>
        %add3A_440 = arith.addf %add3A_439, %get3A_422 : vector<16xf32>
        %sub3A_441 = arith.subf %add3A_440, %mul3A_438 : vector<16xf32>
        %add3A_442 = arith.constant 9.99999971E-10 : f32
        %add3A_443 = vector.broadcast %add3A_442 : f32 to vector<16xf32>
        %add3A_444 = arith.addf %sub3A_441, %add3A_443 : vector<16xf32>
        %div3A = arith.divf %mul3A_438, %add3A_444 : vector<16xf32>
        %mul3A_445 = arith.constant 16 : i32
        %mul3A_446 = arith.muli %scan3A_400, %mul3A_445 : i32
        %add3A_447 = arith.addi %mul3A_0, %mul3A_446 : i32
        %add3A_448 = vector.broadcast %add3A_447 : i32 to vector<16xi32>
        %add3A_449 = arith.addi %add3A_448, %iota3A : vector<16xi32>
        %gt3A_450 = arith.constant 3.000000e-01 : f32
        %gt3A_451 = vector.broadcast %gt3A_450 : f32 to vector<16xf32>
        %gt3A_452 = arith.cmpf ogt, %div3A, %gt3A_451 : vector<16xf32>
        %eq3A_453 = vector.broadcast %scan3A_25 : i32 to vector<16xi32>
        %eq3A_454 = arith.cmpi eq, %add3A_449, %eq3A_453 : vector<16xi32>
        %or3A = arith.ori %gt3A_452, %eq3A_454 : vector<16xi1>
        %jit3A_455 = arith.constant -1.000000e+00 : f32
        %broadcast_in_dim3A_456 = vector.broadcast %jit3A_455 : f32 to vector<16xf32>
        %select_n3A_457 = arith.select %or3A, %broadcast_in_dim3A_456, %get3A_407 : vector<16xi1>, vector<16xf32>
        %swap3A_458 = arith.index_cast %mul3A_404 : i32 to index
        %swap3A_459 = tpu.vector_load %arg12[%swap3A_458] {strides = array<i32>} : memref<1280xf32, #tpu.memory_space<vmem>>, vector<16xf32>,
        %swap3A_460 = vector.shape_cast %swap3A_459 : vector<16xf32> to vector<16xf32>
        %swap3A_461 = vector.shape_cast %select_n3A_457 : vector<16xf32> to vector<16xf32>
        tpu.vector_store %arg12[%swap3A_458], %swap3A_461 {strides = array<i32>} : memref<1280xf32, #tpu.memory_space<vmem>>, vector<16xf32>,
        %gt3A_462 = arith.cmpf ogt, %select_n3A_457, %scan3A_401 : vector<16xf32>
        %select_n3A_463 = arith.select %gt3A_462, %select_n3A_457, %scan3A_401 : vector<16xi1>, vector<16xf32>
        %broadcast_in_dim3A_464 = vector.broadcast %scan3A_400 : i32 to vector<16xi32>
        %select_n3A_465 = arith.select %gt3A_462, %broadcast_in_dim3A_464, %scan3A_402 : vector<16xi1>, vector<16xi32>
        %scan3A_466 = arith.constant 1 : i32
        %scan3A_467 = arith.addi %scan3A_400, %scan3A_466 : i32
        %mul3A_468 = arith.constant 16 : i32
        %mul3A_469 = arith.muli %scan3A_467, %mul3A_468 : i32
        %get3A_470 = arith.index_cast %mul3A_469 : i32 to index
        %get3A_471 = tpu.vector_load %arg12[%get3A_470] {strides = array<i32>} : memref<1280xf32, #tpu.memory_space<vmem>>, vector<16xf32>,
        %get3A_472 = vector.shape_cast %get3A_471 : vector<16xf32> to vector<16xf32>
        %get3A_473 = arith.index_cast %mul3A_469 : i32 to index
        %get3A_474 = tpu.vector_load %arg13[%get3A_473] {strides = array<i32>} : memref<1280xf32, #tpu.memory_space<vmem>>, vector<16xf32>,
        %get3A_475 = vector.shape_cast %get3A_474 : vector<16xf32> to vector<16xf32>
        %get3A_476 = arith.index_cast %mul3A_469 : i32 to index
        %get3A_477 = tpu.vector_load %arg14[%get3A_476] {strides = array<i32>} : memref<1280xf32, #tpu.memory_space<vmem>>, vector<16xf32>,
        %get3A_478 = vector.shape_cast %get3A_477 : vector<16xf32> to vector<16xf32>
        %get3A_479 = arith.index_cast %mul3A_469 : i32 to index
        %get3A_480 = tpu.vector_load %arg15[%get3A_479] {strides = array<i32>} : memref<1280xf32, #tpu.memory_space<vmem>>, vector<16xf32>,
        %get3A_481 = vector.shape_cast %get3A_480 : vector<16xf32> to vector<16xf32>
        %get3A_482 = arith.index_cast %mul3A_469 : i32 to index
        %get3A_483 = tpu.vector_load %arg16[%get3A_482] {strides = array<i32>} : memref<1280xf32, #tpu.memory_space<vmem>>, vector<16xf32>,
        %get3A_484 = vector.shape_cast %get3A_483 : vector<16xf32> to vector<16xf32>
        %get3A_485 = arith.index_cast %mul3A_469 : i32 to index
        %get3A_486 = tpu.vector_load %arg17[%get3A_485] {strides = array<i32>} : memref<1280xf32, #tpu.memory_space<vmem>>, vector<16xf32>,
        %get3A_487 = vector.shape_cast %get3A_486 : vector<16xf32> to vector<16xf32>
        %max3A_488 = vector.broadcast %scan3A_26 : f32 to vector<16xf32>
        %max3A_489 = arith.maximumf %max3A_488, %get3A_475 : vector<16xf32>
        %max3A_490 = vector.broadcast %scan3A_27 : f32 to vector<16xf32>
        %max3A_491 = arith.maximumf %max3A_490, %get3A_478 : vector<16xf32>
        %min3A_492 = vector.broadcast %scan3A_28 : f32 to vector<16xf32>
        %min3A_493 = arith.minimumf %min3A_492, %get3A_481 : vector<16xf32>
        %min3A_494 = vector.broadcast %scan3A_29 : f32 to vector<16xf32>
        %min3A_495 = arith.minimumf %min3A_494, %get3A_484 : vector<16xf32>
        %sub3A_496 = arith.subf %min3A_493, %max3A_489 : vector<16xf32>
        %max3A_497 = arith.constant 0.000000e+00 : f32
        %max3A_498 = vector.broadcast %max3A_497 : f32 to vector<16xf32>
        %max3A_499 = arith.maximumf %sub3A_496, %max3A_498 : vector<16xf32>
        %sub3A_500 = arith.subf %min3A_495, %max3A_491 : vector<16xf32>
        %max3A_501 = arith.constant 0.000000e+00 : f32
        %max3A_502 = vector.broadcast %max3A_501 : f32 to vector<16xf32>
        %max3A_503 = arith.maximumf %sub3A_500, %max3A_502 : vector<16xf32>
        %mul3A_504 = arith.mulf %max3A_499, %max3A_503 : vector<16xf32>
        %add3A_505 = vector.broadcast %scan3A_30 : f32 to vector<16xf32>
        %add3A_506 = arith.addf %add3A_505, %get3A_487 : vector<16xf32>
        %sub3A_507 = arith.subf %add3A_506, %mul3A_504 : vector<16xf32>
        %add3A_508 = arith.constant 9.99999971E-10 : f32
        %add3A_509 = vector.broadcast %add3A_508 : f32 to vector<16xf32>
        %add3A_510 = arith.addf %sub3A_507, %add3A_509 : vector<16xf32>
        %div3A_511 = arith.divf %mul3A_504, %add3A_510 : vector<16xf32>
        %mul3A_512 = arith.constant 16 : i32
        %mul3A_513 = arith.muli %scan3A_467, %mul3A_512 : i32
        %add3A_514 = arith.addi %mul3A_0, %mul3A_513 : i32
        %add3A_515 = vector.broadcast %add3A_514 : i32 to vector<16xi32>
        %add3A_516 = arith.addi %add3A_515, %iota3A : vector<16xi32>
        %gt3A_517 = arith.constant 3.000000e-01 : f32
        %gt3A_518 = vector.broadcast %gt3A_517 : f32 to vector<16xf32>
        %gt3A_519 = arith.cmpf ogt, %div3A_511, %gt3A_518 : vector<16xf32>
        %eq3A_520 = vector.broadcast %scan3A_25 : i32 to vector<16xi32>
        %eq3A_521 = arith.cmpi eq, %add3A_516, %eq3A_520 : vector<16xi32>
        %or3A_522 = arith.ori %gt3A_519, %eq3A_521 : vector<16xi1>
        %jit3A_523 = arith.constant -1.000000e+00 : f32
        %broadcast_in_dim3A_524 = vector.broadcast %jit3A_523 : f32 to vector<16xf32>
        %select_n3A_525 = arith.select %or3A_522, %broadcast_in_dim3A_524, %get3A_472 : vector<16xi1>, vector<16xf32>
        %swap3A_526 = arith.index_cast %mul3A_469 : i32 to index
        %swap3A_527 = tpu.vector_load %arg12[%swap3A_526] {strides = array<i32>} : memref<1280xf32, #tpu.memory_space<vmem>>, vector<16xf32>,
        %swap3A_528 = vector.shape_cast %swap3A_527 : vector<16xf32> to vector<16xf32>
        %swap3A_529 = vector.shape_cast %select_n3A_525 : vector<16xf32> to vector<16xf32>
        tpu.vector_store %arg12[%swap3A_526], %swap3A_529 {strides = array<i32>} : memref<1280xf32, #tpu.memory_space<vmem>>, vector<16xf32>,
        %gt3A_530 = arith.cmpf ogt, %select_n3A_525, %select_n3A_463 : vector<16xf32>
        %select_n3A_531 = arith.select %gt3A_530, %select_n3A_525, %select_n3A_463 : vector<16xi1>, vector<16xf32>
        %broadcast_in_dim3A_532 = vector.broadcast %scan3A_467 : i32 to vector<16xi32>
        %select_n3A_533 = arith.select %gt3A_530, %broadcast_in_dim3A_532, %select_n3A_465 : vector<16xi1>, vector<16xi32>
        %scan3A_534 = arith.constant 2 : i32
        %scan3A_535 = arith.addi %scan3A_400, %scan3A_534 : i32
        %mul3A_536 = arith.constant 16 : i32
        %mul3A_537 = arith.muli %scan3A_535, %mul3A_536 : i32
        %get3A_538 = arith.index_cast %mul3A_537 : i32 to index
        %get3A_539 = tpu.vector_load %arg12[%get3A_538] {strides = array<i32>} : memref<1280xf32, #tpu.memory_space<vmem>>, vector<16xf32>,
        %get3A_540 = vector.shape_cast %get3A_539 : vector<16xf32> to vector<16xf32>
        %get3A_541 = arith.index_cast %mul3A_537 : i32 to index
        %get3A_542 = tpu.vector_load %arg13[%get3A_541] {strides = array<i32>} : memref<1280xf32, #tpu.memory_space<vmem>>, vector<16xf32>,
        %get3A_543 = vector.shape_cast %get3A_542 : vector<16xf32> to vector<16xf32>
        %get3A_544 = arith.index_cast %mul3A_537 : i32 to index
        %get3A_545 = tpu.vector_load %arg14[%get3A_544] {strides = array<i32>} : memref<1280xf32, #tpu.memory_space<vmem>>, vector<16xf32>,
        %get3A_546 = vector.shape_cast %get3A_545 : vector<16xf32> to vector<16xf32>
        %get3A_547 = arith.index_cast %mul3A_537 : i32 to index
        %get3A_548 = tpu.vector_load %arg15[%get3A_547] {strides = array<i32>} : memref<1280xf32, #tpu.memory_space<vmem>>, vector<16xf32>,
        %get3A_549 = vector.shape_cast %get3A_548 : vector<16xf32> to vector<16xf32>
        %get3A_550 = arith.index_cast %mul3A_537 : i32 to index
        %get3A_551 = tpu.vector_load %arg16[%get3A_550] {strides = array<i32>} : memref<1280xf32, #tpu.memory_space<vmem>>, vector<16xf32>,
        %get3A_552 = vector.shape_cast %get3A_551 : vector<16xf32> to vector<16xf32>
        %get3A_553 = arith.index_cast %mul3A_537 : i32 to index
        %get3A_554 = tpu.vector_load %arg17[%get3A_553] {strides = array<i32>} : memref<1280xf32, #tpu.memory_space<vmem>>, vector<16xf32>,
        %get3A_555 = vector.shape_cast %get3A_554 : vector<16xf32> to vector<16xf32>
        %max3A_556 = vector.broadcast %scan3A_26 : f32 to vector<16xf32>
        %max3A_557 = arith.maximumf %max3A_556, %get3A_543 : vector<16xf32>
        %max3A_558 = vector.broadcast %scan3A_27 : f32 to vector<16xf32>
        %max3A_559 = arith.maximumf %max3A_558, %get3A_546 : vector<16xf32>
        %min3A_560 = vector.broadcast %scan3A_28 : f32 to vector<16xf32>
        %min3A_561 = arith.minimumf %min3A_560, %get3A_549 : vector<16xf32>
        %min3A_562 = vector.broadcast %scan3A_29 : f32 to vector<16xf32>
        %min3A_563 = arith.minimumf %min3A_562, %get3A_552 : vector<16xf32>
        %sub3A_564 = arith.subf %min3A_561, %max3A_557 : vector<16xf32>
        %max3A_565 = arith.constant 0.000000e+00 : f32
        %max3A_566 = vector.broadcast %max3A_565 : f32 to vector<16xf32>
        %max3A_567 = arith.maximumf %sub3A_564, %max3A_566 : vector<16xf32>
        %sub3A_568 = arith.subf %min3A_563, %max3A_559 : vector<16xf32>
        %max3A_569 = arith.constant 0.000000e+00 : f32
        %max3A_570 = vector.broadcast %max3A_569 : f32 to vector<16xf32>
        %max3A_571 = arith.maximumf %sub3A_568, %max3A_570 : vector<16xf32>
        %mul3A_572 = arith.mulf %max3A_567, %max3A_571 : vector<16xf32>
        %add3A_573 = vector.broadcast %scan3A_30 : f32 to vector<16xf32>
        %add3A_574 = arith.addf %add3A_573, %get3A_555 : vector<16xf32>
        %sub3A_575 = arith.subf %add3A_574, %mul3A_572 : vector<16xf32>
        %add3A_576 = arith.constant 9.99999971E-10 : f32
        %add3A_577 = vector.broadcast %add3A_576 : f32 to vector<16xf32>
        %add3A_578 = arith.addf %sub3A_575, %add3A_577 : vector<16xf32>
        %div3A_579 = arith.divf %mul3A_572, %add3A_578 : vector<16xf32>
        %mul3A_580 = arith.constant 16 : i32
        %mul3A_581 = arith.muli %scan3A_535, %mul3A_580 : i32
        %add3A_582 = arith.addi %mul3A_0, %mul3A_581 : i32
        %add3A_583 = vector.broadcast %add3A_582 : i32 to vector<16xi32>
        %add3A_584 = arith.addi %add3A_583, %iota3A : vector<16xi32>
        %gt3A_585 = arith.constant 3.000000e-01 : f32
        %gt3A_586 = vector.broadcast %gt3A_585 : f32 to vector<16xf32>
        %gt3A_587 = arith.cmpf ogt, %div3A_579, %gt3A_586 : vector<16xf32>
        %eq3A_588 = vector.broadcast %scan3A_25 : i32 to vector<16xi32>
        %eq3A_589 = arith.cmpi eq, %add3A_584, %eq3A_588 : vector<16xi32>
        %or3A_590 = arith.ori %gt3A_587, %eq3A_589 : vector<16xi1>
        %jit3A_591 = arith.constant -1.000000e+00 : f32
        %broadcast_in_dim3A_592 = vector.broadcast %jit3A_591 : f32 to vector<16xf32>
        %select_n3A_593 = arith.select %or3A_590, %broadcast_in_dim3A_592, %get3A_540 : vector<16xi1>, vector<16xf32>
        %swap3A_594 = arith.index_cast %mul3A_537 : i32 to index
        %swap3A_595 = tpu.vector_load %arg12[%swap3A_594] {strides = array<i32>} : memref<1280xf32, #tpu.memory_space<vmem>>, vector<16xf32>,
        %swap3A_596 = vector.shape_cast %swap3A_595 : vector<16xf32> to vector<16xf32>
        %swap3A_597 = vector.shape_cast %select_n3A_593 : vector<16xf32> to vector<16xf32>
        tpu.vector_store %arg12[%swap3A_594], %swap3A_597 {strides = array<i32>} : memref<1280xf32, #tpu.memory_space<vmem>>, vector<16xf32>,
        %gt3A_598 = arith.cmpf ogt, %select_n3A_593, %select_n3A_531 : vector<16xf32>
        %select_n3A_599 = arith.select %gt3A_598, %select_n3A_593, %select_n3A_531 : vector<16xi1>, vector<16xf32>
        %broadcast_in_dim3A_600 = vector.broadcast %scan3A_535 : i32 to vector<16xi32>
        %select_n3A_601 = arith.select %gt3A_598, %broadcast_in_dim3A_600, %select_n3A_533 : vector<16xi1>, vector<16xi32>
        %scan3A_602 = arith.constant 3 : i32
        %scan3A_603 = arith.addi %scan3A_400, %scan3A_602 : i32
        %mul3A_604 = arith.constant 16 : i32
        %mul3A_605 = arith.muli %scan3A_603, %mul3A_604 : i32
        %get3A_606 = arith.index_cast %mul3A_605 : i32 to index
        %get3A_607 = tpu.vector_load %arg12[%get3A_606] {strides = array<i32>} : memref<1280xf32, #tpu.memory_space<vmem>>, vector<16xf32>,
        %get3A_608 = vector.shape_cast %get3A_607 : vector<16xf32> to vector<16xf32>
        %get3A_609 = arith.index_cast %mul3A_605 : i32 to index
        %get3A_610 = tpu.vector_load %arg13[%get3A_609] {strides = array<i32>} : memref<1280xf32, #tpu.memory_space<vmem>>, vector<16xf32>,
        %get3A_611 = vector.shape_cast %get3A_610 : vector<16xf32> to vector<16xf32>
        %get3A_612 = arith.index_cast %mul3A_605 : i32 to index
        %get3A_613 = tpu.vector_load %arg14[%get3A_612] {strides = array<i32>} : memref<1280xf32, #tpu.memory_space<vmem>>, vector<16xf32>,
        %get3A_614 = vector.shape_cast %get3A_613 : vector<16xf32> to vector<16xf32>
        %get3A_615 = arith.index_cast %mul3A_605 : i32 to index
        %get3A_616 = tpu.vector_load %arg15[%get3A_615] {strides = array<i32>} : memref<1280xf32, #tpu.memory_space<vmem>>, vector<16xf32>,
        %get3A_617 = vector.shape_cast %get3A_616 : vector<16xf32> to vector<16xf32>
        %get3A_618 = arith.index_cast %mul3A_605 : i32 to index
        %get3A_619 = tpu.vector_load %arg16[%get3A_618] {strides = array<i32>} : memref<1280xf32, #tpu.memory_space<vmem>>, vector<16xf32>,
        %get3A_620 = vector.shape_cast %get3A_619 : vector<16xf32> to vector<16xf32>
        %get3A_621 = arith.index_cast %mul3A_605 : i32 to index
        %get3A_622 = tpu.vector_load %arg17[%get3A_621] {strides = array<i32>} : memref<1280xf32, #tpu.memory_space<vmem>>, vector<16xf32>,
        %get3A_623 = vector.shape_cast %get3A_622 : vector<16xf32> to vector<16xf32>
        %max3A_624 = vector.broadcast %scan3A_26 : f32 to vector<16xf32>
        %max3A_625 = arith.maximumf %max3A_624, %get3A_611 : vector<16xf32>
        %max3A_626 = vector.broadcast %scan3A_27 : f32 to vector<16xf32>
        %max3A_627 = arith.maximumf %max3A_626, %get3A_614 : vector<16xf32>
        %min3A_628 = vector.broadcast %scan3A_28 : f32 to vector<16xf32>
        %min3A_629 = arith.minimumf %min3A_628, %get3A_617 : vector<16xf32>
        %min3A_630 = vector.broadcast %scan3A_29 : f32 to vector<16xf32>
        %min3A_631 = arith.minimumf %min3A_630, %get3A_620 : vector<16xf32>
        %sub3A_632 = arith.subf %min3A_629, %max3A_625 : vector<16xf32>
        %max3A_633 = arith.constant 0.000000e+00 : f32
        %max3A_634 = vector.broadcast %max3A_633 : f32 to vector<16xf32>
        %max3A_635 = arith.maximumf %sub3A_632, %max3A_634 : vector<16xf32>
        %sub3A_636 = arith.subf %min3A_631, %max3A_627 : vector<16xf32>
        %max3A_637 = arith.constant 0.000000e+00 : f32
        %max3A_638 = vector.broadcast %max3A_637 : f32 to vector<16xf32>
        %max3A_639 = arith.maximumf %sub3A_636, %max3A_638 : vector<16xf32>
        %mul3A_640 = arith.mulf %max3A_635, %max3A_639 : vector<16xf32>
        %add3A_641 = vector.broadcast %scan3A_30 : f32 to vector<16xf32>
        %add3A_642 = arith.addf %add3A_641, %get3A_623 : vector<16xf32>
        %sub3A_643 = arith.subf %add3A_642, %mul3A_640 : vector<16xf32>
        %add3A_644 = arith.constant 9.99999971E-10 : f32
        %add3A_645 = vector.broadcast %add3A_644 : f32 to vector<16xf32>
        %add3A_646 = arith.addf %sub3A_643, %add3A_645 : vector<16xf32>
        %div3A_647 = arith.divf %mul3A_640, %add3A_646 : vector<16xf32>
        %mul3A_648 = arith.constant 16 : i32
        %mul3A_649 = arith.muli %scan3A_603, %mul3A_648 : i32
        %add3A_650 = arith.addi %mul3A_0, %mul3A_649 : i32
        %add3A_651 = vector.broadcast %add3A_650 : i32 to vector<16xi32>
        %add3A_652 = arith.addi %add3A_651, %iota3A : vector<16xi32>
        %gt3A_653 = arith.constant 3.000000e-01 : f32
        %gt3A_654 = vector.broadcast %gt3A_653 : f32 to vector<16xf32>
        %gt3A_655 = arith.cmpf ogt, %div3A_647, %gt3A_654 : vector<16xf32>
        %eq3A_656 = vector.broadcast %scan3A_25 : i32 to vector<16xi32>
        %eq3A_657 = arith.cmpi eq, %add3A_652, %eq3A_656 : vector<16xi32>
        %or3A_658 = arith.ori %gt3A_655, %eq3A_657 : vector<16xi1>
        %jit3A_659 = arith.constant -1.000000e+00 : f32
        %broadcast_in_dim3A_660 = vector.broadcast %jit3A_659 : f32 to vector<16xf32>
        %select_n3A_661 = arith.select %or3A_658, %broadcast_in_dim3A_660, %get3A_608 : vector<16xi1>, vector<16xf32>
        %swap3A_662 = arith.index_cast %mul3A_605 : i32 to index
        %swap3A_663 = tpu.vector_load %arg12[%swap3A_662] {strides = array<i32>} : memref<1280xf32, #tpu.memory_space<vmem>>, vector<16xf32>,
        %swap3A_664 = vector.shape_cast %swap3A_663 : vector<16xf32> to vector<16xf32>
        %swap3A_665 = vector.shape_cast %select_n3A_661 : vector<16xf32> to vector<16xf32>
        tpu.vector_store %arg12[%swap3A_662], %swap3A_665 {strides = array<i32>} : memref<1280xf32, #tpu.memory_space<vmem>>, vector<16xf32>,
        %gt3A_666 = arith.cmpf ogt, %select_n3A_661, %select_n3A_599 : vector<16xf32>
        %select_n3A_667 = arith.select %gt3A_666, %select_n3A_661, %select_n3A_599 : vector<16xi1>, vector<16xf32>
        %broadcast_in_dim3A_668 = vector.broadcast %scan3A_603 : i32 to vector<16xi32>
        %select_n3A_669 = arith.select %gt3A_666, %broadcast_in_dim3A_668, %select_n3A_601 : vector<16xi1>, vector<16xi32>
        scf.yield %select_n3A_667, %select_n3A_669 : vector<16xf32>, vector<16xi32>
      }
      %scan3A_38 = arith.constant 80 : i32
      %xor3A = arith.constant 8 : i32
      %xor3A_39 = vector.broadcast %xor3A : i32 to vector<16xi32>
      %xor3A_40 = arith.xori %iota3A, %xor3A_39 : vector<16xi32>
      %lt3A = arith.constant 0 : i32
      %lt3A_41 = vector.broadcast %lt3A : i32 to vector<16xi32>
      %lt3A_42 = arith.cmpi slt, %xor3A_40, %lt3A_41 : vector<16xi32>
      %add3A = arith.constant 16 : i32
      %add3A_43 = vector.broadcast %add3A : i32 to vector<16xi32>
      %add3A_44 = arith.addi %xor3A_40, %add3A_43 : vector<16xi32>
      %select_n3A = arith.select %lt3A_42, %add3A_44, %xor3A_40 : vector<16xi1>, vector<16xi32>
      %broadcast_in_dim3A_45 = vector.shape_cast %select_n3A : vector<16xi32> to vector<16x1xi32>
      %gather3A = vector.shape_cast %broadcast_in_dim3A_45 : vector<16x1xi32> to vector<16xi32>
      %gather3A_46 = tpu.dynamic_gather %scan3A_37#0[%gather3A] in [0] : vector<16xf32>, vector<16xi32> -> vector<16xf32>
      %max3A = arith.maximumf %scan3A_37#0, %gather3A_46 : vector<16xf32>
      %xor3A_47 = arith.constant 4 : i32
      %xor3A_48 = vector.broadcast %xor3A_47 : i32 to vector<16xi32>
      %xor3A_49 = arith.xori %iota3A, %xor3A_48 : vector<16xi32>
      %lt3A_50 = arith.constant 0 : i32
      %lt3A_51 = vector.broadcast %lt3A_50 : i32 to vector<16xi32>
      %lt3A_52 = arith.cmpi slt, %xor3A_49, %lt3A_51 : vector<16xi32>
      %add3A_53 = arith.constant 16 : i32
      %add3A_54 = vector.broadcast %add3A_53 : i32 to vector<16xi32>
      %add3A_55 = arith.addi %xor3A_49, %add3A_54 : vector<16xi32>
      %select_n3A_56 = arith.select %lt3A_52, %add3A_55, %xor3A_49 : vector<16xi1>, vector<16xi32>
      %broadcast_in_dim3A_57 = vector.shape_cast %select_n3A_56 : vector<16xi32> to vector<16x1xi32>
      %gather3A_58 = vector.shape_cast %broadcast_in_dim3A_57 : vector<16x1xi32> to vector<16xi32>
      %gather3A_59 = tpu.dynamic_gather %max3A[%gather3A_58] in [0] : vector<16xf32>, vector<16xi32> -> vector<16xf32>
      %max3A_60 = arith.maximumf %max3A, %gather3A_59 : vector<16xf32>
      %xor3A_61 = arith.constant 2 : i32
      %xor3A_62 = vector.broadcast %xor3A_61 : i32 to vector<16xi32>
      %xor3A_63 = arith.xori %iota3A, %xor3A_62 : vector<16xi32>
      %lt3A_64 = arith.constant 0 : i32
      %lt3A_65 = vector.broadcast %lt3A_64 : i32 to vector<16xi32>
      %lt3A_66 = arith.cmpi slt, %xor3A_63, %lt3A_65 : vector<16xi32>
      %add3A_67 = arith.constant 16 : i32
      %add3A_68 = vector.broadcast %add3A_67 : i32 to vector<16xi32>
      %add3A_69 = arith.addi %xor3A_63, %add3A_68 : vector<16xi32>
      %select_n3A_70 = arith.select %lt3A_66, %add3A_69, %xor3A_63 : vector<16xi1>, vector<16xi32>
      %broadcast_in_dim3A_71 = vector.shape_cast %select_n3A_70 : vector<16xi32> to vector<16x1xi32>
      %gather3A_72 = vector.shape_cast %broadcast_in_dim3A_71 : vector<16x1xi32> to vector<16xi32>
      %gather3A_73 = tpu.dynamic_gather %max3A_60[%gather3A_72] in [0] : vector<16xf32>, vector<16xi32> -> vector<16xf32>
      %max3A_74 = arith.maximumf %max3A_60, %gather3A_73 : vector<16xf32>
      %xor3A_75 = arith.constant 1 : i32
      %xor3A_76 = vector.broadcast %xor3A_75 : i32 to vector<16xi32>
      %xor3A_77 = arith.xori %iota3A, %xor3A_76 : vector<16xi32>
      %lt3A_78 = arith.constant 0 : i32
      %lt3A_79 = vector.broadcast %lt3A_78 : i32 to vector<16xi32>
      %lt3A_80 = arith.cmpi slt, %xor3A_77, %lt3A_79 : vector<16xi32>
      %add3A_81 = arith.constant 16 : i32
      %add3A_82 = vector.broadcast %add3A_81 : i32 to vector<16xi32>
      %add3A_83 = arith.addi %xor3A_77, %add3A_82 : vector<16xi32>
      %select_n3A_84 = arith.select %lt3A_80, %add3A_83, %xor3A_77 : vector<16xi1>, vector<16xi32>
      %broadcast_in_dim3A_85 = vector.shape_cast %select_n3A_84 : vector<16xi32> to vector<16x1xi32>
      %gather3A_86 = vector.shape_cast %broadcast_in_dim3A_85 : vector<16x1xi32> to vector<16xi32>
      %gather3A_87 = tpu.dynamic_gather %max3A_74[%gather3A_86] in [0] : vector<16xf32>, vector<16xi32> -> vector<16xf32>
      %max3A_88 = arith.maximumf %max3A_74, %gather3A_87 : vector<16xf32>
      %slice3A = vector.extract_strided_slice %max3A_88 {offsets = [0], sizes = [1], strides = [1]} : vector<16xf32> to vector<1xf32>
      %squeeze3A = vector.extract %slice3A[0] : f32 from vector<1xf32>
      %eq3A_89 = arith.cmpf oeq, %scan3A_37#0, %max3A_88 : vector<16xf32>
      %broadcast_in_dim3A_90 = vector.broadcast %scan3A_7 : i32 to vector<16xi32>
      %select_n3A_91 = arith.select %eq3A_89, %scan3A_37#1, %broadcast_in_dim3A_90 : vector<16xi1>, vector<16xi32>
      %xor3A_92 = arith.constant 8 : i32
      %xor3A_93 = vector.broadcast %xor3A_92 : i32 to vector<16xi32>
      %xor3A_94 = arith.xori %iota3A, %xor3A_93 : vector<16xi32>
      %lt3A_95 = arith.constant 0 : i32
      %lt3A_96 = vector.broadcast %lt3A_95 : i32 to vector<16xi32>
      %lt3A_97 = arith.cmpi slt, %xor3A_94, %lt3A_96 : vector<16xi32>
      %add3A_98 = arith.constant 16 : i32
      %add3A_99 = vector.broadcast %add3A_98 : i32 to vector<16xi32>
      %add3A_100 = arith.addi %xor3A_94, %add3A_99 : vector<16xi32>
      %select_n3A_101 = arith.select %lt3A_97, %add3A_100, %xor3A_94 : vector<16xi1>, vector<16xi32>
      %broadcast_in_dim3A_102 = vector.shape_cast %select_n3A_101 : vector<16xi32> to vector<16x1xi32>
      %gather3A_103 = vector.shape_cast %broadcast_in_dim3A_102 : vector<16x1xi32> to vector<16xi32>
      %gather3A_104 = tpu.dynamic_gather %select_n3A_91[%gather3A_103] in [0] : vector<16xi32>, vector<16xi32> -> vector<16xi32>
      %min3A = arith.minsi %select_n3A_91, %gather3A_104 : vector<16xi32>
      %xor3A_105 = arith.constant 4 : i32
      %xor3A_106 = vector.broadcast %xor3A_105 : i32 to vector<16xi32>
      %xor3A_107 = arith.xori %iota3A, %xor3A_106 : vector<16xi32>
      %lt3A_108 = arith.constant 0 : i32
      %lt3A_109 = vector.broadcast %lt3A_108 : i32 to vector<16xi32>
      %lt3A_110 = arith.cmpi slt, %xor3A_107, %lt3A_109 : vector<16xi32>
      %add3A_111 = arith.constant 16 : i32
      %add3A_112 = vector.broadcast %add3A_111 : i32 to vector<16xi32>
      %add3A_113 = arith.addi %xor3A_107, %add3A_112 : vector<16xi32>
      %select_n3A_114 = arith.select %lt3A_110, %add3A_113, %xor3A_107 : vector<16xi1>, vector<16xi32>
      %broadcast_in_dim3A_115 = vector.shape_cast %select_n3A_114 : vector<16xi32> to vector<16x1xi32>
      %gather3A_116 = vector.shape_cast %broadcast_in_dim3A_115 : vector<16x1xi32> to vector<16xi32>
      %gather3A_117 = tpu.dynamic_gather %min3A[%gather3A_116] in [0] : vector<16xi32>, vector<16xi32> -> vector<16xi32>
      %min3A_118 = arith.minsi %min3A, %gather3A_117 : vector<16xi32>
      %xor3A_119 = arith.constant 2 : i32
      %xor3A_120 = vector.broadcast %xor3A_119 : i32 to vector<16xi32>
      %xor3A_121 = arith.xori %iota3A, %xor3A_120 : vector<16xi32>
      %lt3A_122 = arith.constant 0 : i32
      %lt3A_123 = vector.broadcast %lt3A_122 : i32 to vector<16xi32>
      %lt3A_124 = arith.cmpi slt, %xor3A_121, %lt3A_123 : vector<16xi32>
      %add3A_125 = arith.constant 16 : i32
      %add3A_126 = vector.broadcast %add3A_125 : i32 to vector<16xi32>
      %add3A_127 = arith.addi %xor3A_121, %add3A_126 : vector<16xi32>
      %select_n3A_128 = arith.select %lt3A_124, %add3A_127, %xor3A_121 : vector<16xi1>, vector<16xi32>
      %broadcast_in_dim3A_129 = vector.shape_cast %select_n3A_128 : vector<16xi32> to vector<16x1xi32>
      %gather3A_130 = vector.shape_cast %broadcast_in_dim3A_129 : vector<16x1xi32> to vector<16xi32>
      %gather3A_131 = tpu.dynamic_gather %min3A_118[%gather3A_130] in [0] : vector<16xi32>, vector<16xi32> -> vector<16xi32>
      %min3A_132 = arith.minsi %min3A_118, %gather3A_131 : vector<16xi32>
      %xor3A_133 = arith.constant 1 : i32
      %xor3A_134 = vector.broadcast %xor3A_133 : i32 to vector<16xi32>
      %xor3A_135 = arith.xori %iota3A, %xor3A_134 : vector<16xi32>
      %lt3A_136 = arith.constant 0 : i32
      %lt3A_137 = vector.broadcast %lt3A_136 : i32 to vector<16xi32>
      %lt3A_138 = arith.cmpi slt, %xor3A_135, %lt3A_137 : vector<16xi32>
      %add3A_139 = arith.constant 16 : i32
      %add3A_140 = vector.broadcast %add3A_139 : i32 to vector<16xi32>
      %add3A_141 = arith.addi %xor3A_135, %add3A_140 : vector<16xi32>
      %select_n3A_142 = arith.select %lt3A_138, %add3A_141, %xor3A_135 : vector<16xi1>, vector<16xi32>
      %broadcast_in_dim3A_143 = vector.shape_cast %select_n3A_142 : vector<16xi32> to vector<16x1xi32>
      %gather3A_144 = vector.shape_cast %broadcast_in_dim3A_143 : vector<16x1xi32> to vector<16xi32>
      %gather3A_145 = tpu.dynamic_gather %min3A_132[%gather3A_144] in [0] : vector<16xi32>, vector<16xi32> -> vector<16xi32>
      %min3A_146 = arith.minsi %min3A_132, %gather3A_145 : vector<16xi32>
      %slice3A_147 = vector.extract_strided_slice %min3A_146 {offsets = [0], sizes = [1], strides = [1]} : vector<16xi32> to vector<1xi32>
      %squeeze3A_148 = vector.extract %slice3A_147[0] : i32 from vector<1xi32>
      %eq3A_149 = arith.cmpi eq, %scan3A_37#1, %min3A_146 : vector<16xi32>
      %and3A = arith.andi %eq3A_89, %eq3A_149 : vector<16xi1>
      %jit3A = arith.constant 127 : i32
      %broadcast_in_dim3A_150 = vector.broadcast %jit3A : i32 to vector<16xi32>
      %select_n3A_151 = arith.select %and3A, %iota3A, %broadcast_in_dim3A_150 : vector<16xi1>, vector<16xi32>
      %xor3A_152 = arith.constant 8 : i32
      %xor3A_153 = vector.broadcast %xor3A_152 : i32 to vector<16xi32>
      %xor3A_154 = arith.xori %iota3A, %xor3A_153 : vector<16xi32>
      %lt3A_155 = arith.constant 0 : i32
      %lt3A_156 = vector.broadcast %lt3A_155 : i32 to vector<16xi32>
      %lt3A_157 = arith.cmpi slt, %xor3A_154, %lt3A_156 : vector<16xi32>
      %add3A_158 = arith.constant 16 : i32
      %add3A_159 = vector.broadcast %add3A_158 : i32 to vector<16xi32>
      %add3A_160 = arith.addi %xor3A_154, %add3A_159 : vector<16xi32>
      %select_n3A_161 = arith.select %lt3A_157, %add3A_160, %xor3A_154 : vector<16xi1>, vector<16xi32>
      %broadcast_in_dim3A_162 = vector.shape_cast %select_n3A_161 : vector<16xi32> to vector<16x1xi32>
      %gather3A_163 = vector.shape_cast %broadcast_in_dim3A_162 : vector<16x1xi32> to vector<16xi32>
      %gather3A_164 = tpu.dynamic_gather %select_n3A_151[%gather3A_163] in [0] : vector<16xi32>, vector<16xi32> -> vector<16xi32>
      %min3A_165 = arith.minsi %select_n3A_151, %gather3A_164 : vector<16xi32>
      %xor3A_166 = arith.constant 4 : i32
      %xor3A_167 = vector.broadcast %xor3A_166 : i32 to vector<16xi32>
      %xor3A_168 = arith.xori %iota3A, %xor3A_167 : vector<16xi32>
      %lt3A_169 = arith.constant 0 : i32
      %lt3A_170 = vector.broadcast %lt3A_169 : i32 to vector<16xi32>
      %lt3A_171 = arith.cmpi slt, %xor3A_168, %lt3A_170 : vector<16xi32>
      %add3A_172 = arith.constant 16 : i32
      %add3A_173 = vector.broadcast %add3A_172 : i32 to vector<16xi32>
      %add3A_174 = arith.addi %xor3A_168, %add3A_173 : vector<16xi32>
      %select_n3A_175 = arith.select %lt3A_171, %add3A_174, %xor3A_168 : vector<16xi1>, vector<16xi32>
      %broadcast_in_dim3A_176 = vector.shape_cast %select_n3A_175 : vector<16xi32> to vector<16x1xi32>
      %gather3A_177 = vector.shape_cast %broadcast_in_dim3A_176 : vector<16x1xi32> to vector<16xi32>
      %gather3A_178 = tpu.dynamic_gather %min3A_165[%gather3A_177] in [0] : vector<16xi32>, vector<16xi32> -> vector<16xi32>
      %min3A_179 = arith.minsi %min3A_165, %gather3A_178 : vector<16xi32>
      %xor3A_180 = arith.constant 2 : i32
      %xor3A_181 = vector.broadcast %xor3A_180 : i32 to vector<16xi32>
      %xor3A_182 = arith.xori %iota3A, %xor3A_181 : vector<16xi32>
      %lt3A_183 = arith.constant 0 : i32
      %lt3A_184 = vector.broadcast %lt3A_183 : i32 to vector<16xi32>
      %lt3A_185 = arith.cmpi slt, %xor3A_182, %lt3A_184 : vector<16xi32>
      %add3A_186 = arith.constant 16 : i32
      %add3A_187 = vector.broadcast %add3A_186 : i32 to vector<16xi32>
      %add3A_188 = arith.addi %xor3A_182, %add3A_187 : vector<16xi32>
      %select_n3A_189 = arith.select %lt3A_185, %add3A_188, %xor3A_182 : vector<16xi1>, vector<16xi32>
      %broadcast_in_dim3A_190 = vector.shape_cast %select_n3A_189 : vector<16xi32> to vector<16x1xi32>
      %gather3A_191 = vector.shape_cast %broadcast_in_dim3A_190 : vector<16x1xi32> to vector<16xi32>
      %gather3A_192 = tpu.dynamic_gather %min3A_179[%gather3A_191] in [0] : vector<16xi32>, vector<16xi32> -> vector<16xi32>
      %min3A_193 = arith.minsi %min3A_179, %gather3A_192 : vector<16xi32>
      %xor3A_194 = arith.constant 1 : i32
      %xor3A_195 = vector.broadcast %xor3A_194 : i32 to vector<16xi32>
      %xor3A_196 = arith.xori %iota3A, %xor3A_195 : vector<16xi32>
      %lt3A_197 = arith.constant 0 : i32
      %lt3A_198 = vector.broadcast %lt3A_197 : i32 to vector<16xi32>
      %lt3A_199 = arith.cmpi slt, %xor3A_196, %lt3A_198 : vector<16xi32>
      %add3A_200 = arith.constant 16 : i32
      %add3A_201 = vector.broadcast %add3A_200 : i32 to vector<16xi32>
      %add3A_202 = arith.addi %xor3A_196, %add3A_201 : vector<16xi32>
      %select_n3A_203 = arith.select %lt3A_199, %add3A_202, %xor3A_196 : vector<16xi1>, vector<16xi32>
      %broadcast_in_dim3A_204 = vector.shape_cast %select_n3A_203 : vector<16xi32> to vector<16x1xi32>
      %gather3A_205 = vector.shape_cast %broadcast_in_dim3A_204 : vector<16x1xi32> to vector<16xi32>
      %gather3A_206 = tpu.dynamic_gather %min3A_193[%gather3A_205] in [0] : vector<16xi32>, vector<16xi32> -> vector<16xi32>
      %min3A_207 = arith.minsi %min3A_193, %gather3A_206 : vector<16xi32>
      %slice3A_208 = vector.extract_strided_slice %min3A_207 {offsets = [0], sizes = [1], strides = [1]} : vector<16xi32> to vector<1xi32>
      %squeeze3A_209 = vector.extract %slice3A_208[0] : i32 from vector<1xi32>
      %mul3A_210 = arith.constant 16 : i32
      %mul3A_211 = arith.muli %squeeze3A_148, %mul3A_210 : i32
      %add3A_212 = arith.addi %mul3A_211, %squeeze3A_209 : i32
      %mul3A_213 = arith.constant 16 : i32
      %mul3A_214 = arith.muli %squeeze3A_148, %mul3A_213 : i32
      %get3A = arith.index_cast %mul3A_214 : i32 to index
      %get3A_215 = tpu.vector_load %arg13[%get3A] {strides = array<i32>} : memref<1280xf32, #tpu.memory_space<vmem>>, vector<16xf32>,
      %get3A_216 = vector.shape_cast %get3A_215 : vector<16xf32> to vector<16xf32>
      %lt3A_217 = arith.constant 0 : i32
      %lt3A_218 = vector.broadcast %lt3A_217 : i32 to vector<16xi32>
      %lt3A_219 = arith.cmpi slt, %min3A_207, %lt3A_218 : vector<16xi32>
      %add3A_220 = arith.constant 16 : i32
      %add3A_221 = vector.broadcast %add3A_220 : i32 to vector<16xi32>
      %add3A_222 = arith.addi %min3A_207, %add3A_221 : vector<16xi32>
      %select_n3A_223 = arith.select %lt3A_219, %add3A_222, %min3A_207 : vector<16xi1>, vector<16xi32>
      %broadcast_in_dim3A_224 = vector.shape_cast %select_n3A_223 : vector<16xi32> to vector<16x1xi32>
      %gather3A_225 = vector.shape_cast %broadcast_in_dim3A_224 : vector<16x1xi32> to vector<16xi32>
      %gather3A_226 = tpu.dynamic_gather %get3A_216[%gather3A_225] in [0] : vector<16xf32>, vector<16xi32> -> vector<16xf32>
      %slice3A_227 = vector.extract_strided_slice %gather3A_226 {offsets = [0], sizes = [1], strides = [1]} : vector<16xf32> to vector<1xf32>
      %squeeze3A_228 = vector.extract %slice3A_227[0] : f32 from vector<1xf32>
      %get3A_229 = arith.index_cast %mul3A_214 : i32 to index
      %get3A_230 = tpu.vector_load %arg14[%get3A_229] {strides = array<i32>} : memref<1280xf32, #tpu.memory_space<vmem>>, vector<16xf32>,
      %get3A_231 = vector.shape_cast %get3A_230 : vector<16xf32> to vector<16xf32>
      %lt3A_232 = arith.constant 0 : i32
      %lt3A_233 = vector.broadcast %lt3A_232 : i32 to vector<16xi32>
      %lt3A_234 = arith.cmpi slt, %min3A_207, %lt3A_233 : vector<16xi32>
      %add3A_235 = arith.constant 16 : i32
      %add3A_236 = vector.broadcast %add3A_235 : i32 to vector<16xi32>
      %add3A_237 = arith.addi %min3A_207, %add3A_236 : vector<16xi32>
      %select_n3A_238 = arith.select %lt3A_234, %add3A_237, %min3A_207 : vector<16xi1>, vector<16xi32>
      %broadcast_in_dim3A_239 = vector.shape_cast %select_n3A_238 : vector<16xi32> to vector<16x1xi32>
      %gather3A_240 = vector.shape_cast %broadcast_in_dim3A_239 : vector<16x1xi32> to vector<16xi32>
      %gather3A_241 = tpu.dynamic_gather %get3A_231[%gather3A_240] in [0] : vector<16xf32>, vector<16xi32> -> vector<16xf32>
      %slice3A_242 = vector.extract_strided_slice %gather3A_241 {offsets = [0], sizes = [1], strides = [1]} : vector<16xf32> to vector<1xf32>
      %squeeze3A_243 = vector.extract %slice3A_242[0] : f32 from vector<1xf32>
      %get3A_244 = arith.index_cast %mul3A_214 : i32 to index
      %get3A_245 = tpu.vector_load %arg15[%get3A_244] {strides = array<i32>} : memref<1280xf32, #tpu.memory_space<vmem>>, vector<16xf32>,
      %get3A_246 = vector.shape_cast %get3A_245 : vector<16xf32> to vector<16xf32>
      %lt3A_247 = arith.constant 0 : i32
      %lt3A_248 = vector.broadcast %lt3A_247 : i32 to vector<16xi32>
      %lt3A_249 = arith.cmpi slt, %min3A_207, %lt3A_248 : vector<16xi32>
      %add3A_250 = arith.constant 16 : i32
      %add3A_251 = vector.broadcast %add3A_250 : i32 to vector<16xi32>
      %add3A_252 = arith.addi %min3A_207, %add3A_251 : vector<16xi32>
      %select_n3A_253 = arith.select %lt3A_249, %add3A_252, %min3A_207 : vector<16xi1>, vector<16xi32>
      %broadcast_in_dim3A_254 = vector.shape_cast %select_n3A_253 : vector<16xi32> to vector<16x1xi32>
      %gather3A_255 = vector.shape_cast %broadcast_in_dim3A_254 : vector<16x1xi32> to vector<16xi32>
      %gather3A_256 = tpu.dynamic_gather %get3A_246[%gather3A_255] in [0] : vector<16xf32>, vector<16xi32> -> vector<16xf32>
      %slice3A_257 = vector.extract_strided_slice %gather3A_256 {offsets = [0], sizes = [1], strides = [1]} : vector<16xf32> to vector<1xf32>
      %squeeze3A_258 = vector.extract %slice3A_257[0] : f32 from vector<1xf32>
      %get3A_259 = arith.index_cast %mul3A_214 : i32 to index
      %get3A_260 = tpu.vector_load %arg16[%get3A_259] {strides = array<i32>} : memref<1280xf32, #tpu.memory_space<vmem>>, vector<16xf32>,
      %get3A_261 = vector.shape_cast %get3A_260 : vector<16xf32> to vector<16xf32>
      %lt3A_262 = arith.constant 0 : i32
      %lt3A_263 = vector.broadcast %lt3A_262 : i32 to vector<16xi32>
      %lt3A_264 = arith.cmpi slt, %min3A_207, %lt3A_263 : vector<16xi32>
      %add3A_265 = arith.constant 16 : i32
      %add3A_266 = vector.broadcast %add3A_265 : i32 to vector<16xi32>
      %add3A_267 = arith.addi %min3A_207, %add3A_266 : vector<16xi32>
      %select_n3A_268 = arith.select %lt3A_264, %add3A_267, %min3A_207 : vector<16xi1>, vector<16xi32>
      %broadcast_in_dim3A_269 = vector.shape_cast %select_n3A_268 : vector<16xi32> to vector<16x1xi32>
      %gather3A_270 = vector.shape_cast %broadcast_in_dim3A_269 : vector<16x1xi32> to vector<16xi32>
      %gather3A_271 = tpu.dynamic_gather %get3A_261[%gather3A_270] in [0] : vector<16xf32>, vector<16xi32> -> vector<16xf32>
      %slice3A_272 = vector.extract_strided_slice %gather3A_271 {offsets = [0], sizes = [1], strides = [1]} : vector<16xf32> to vector<1xf32>
      %squeeze3A_273 = vector.extract %slice3A_272[0] : f32 from vector<1xf32>
      %get3A_274 = arith.index_cast %mul3A_214 : i32 to index
      %get3A_275 = tpu.vector_load %arg17[%get3A_274] {strides = array<i32>} : memref<1280xf32, #tpu.memory_space<vmem>>, vector<16xf32>,
      %get3A_276 = vector.shape_cast %get3A_275 : vector<16xf32> to vector<16xf32>
      %lt3A_277 = arith.constant 0 : i32
      %lt3A_278 = vector.broadcast %lt3A_277 : i32 to vector<16xi32>
      %lt3A_279 = arith.cmpi slt, %min3A_207, %lt3A_278 : vector<16xi32>
      %add3A_280 = arith.constant 16 : i32
      %add3A_281 = vector.broadcast %add3A_280 : i32 to vector<16xi32>
      %add3A_282 = arith.addi %min3A_207, %add3A_281 : vector<16xi32>
      %select_n3A_283 = arith.select %lt3A_279, %add3A_282, %min3A_207 : vector<16xi1>, vector<16xi32>
      %broadcast_in_dim3A_284 = vector.shape_cast %select_n3A_283 : vector<16xi32> to vector<16x1xi32>
      %gather3A_285 = vector.shape_cast %broadcast_in_dim3A_284 : vector<16x1xi32> to vector<16xi32>
      %gather3A_286 = tpu.dynamic_gather %get3A_276[%gather3A_285] in [0] : vector<16xf32>, vector<16xi32> -> vector<16xf32>
      %slice3A_287 = vector.extract_strided_slice %gather3A_286 {offsets = [0], sizes = [1], strides = [1]} : vector<16xf32> to vector<1xf32>
      %squeeze3A_288 = vector.extract %slice3A_287[0] : f32 from vector<1xf32>
      %eq3A_289 = arith.constant 0 : i32
      %eq3A_290 = vector.broadcast %eq3A_289 : i32 to vector<16xi32>
      %eq3A_291 = arith.cmpi eq, %iota3A, %eq3A_290 : vector<16xi32>
      %jit3A_292 = arith.constant 0.000000e+00 : f32
      %broadcast_in_dim3A_293 = vector.broadcast %squeeze3A : f32 to vector<16xf32>
      %broadcast_in_dim3A_294 = vector.broadcast %jit3A_292 : f32 to vector<16xf32>
      %select_n3A_295 = arith.select %eq3A_291, %broadcast_in_dim3A_293, %broadcast_in_dim3A_294 : vector<16xi1>, vector<16xf32>
      %eq3A_296 = arith.constant 1 : i32
      %eq3A_297 = vector.broadcast %eq3A_296 : i32 to vector<16xi32>
      %eq3A_298 = arith.cmpi eq, %iota3A, %eq3A_297 : vector<16xi32>
      %add3A_299 = arith.addi %mul3A_0, %add3A_212 : i32
      %convert_element_type3A_300 = arith.sitofp %add3A_299 : i32 to f32
      %jit3A_301 = arith.constant 0.000000e+00 : f32
      %broadcast_in_dim3A_302 = vector.broadcast %convert_element_type3A_300 : f32 to vector<16xf32>
      %broadcast_in_dim3A_303 = vector.broadcast %jit3A_301 : f32 to vector<16xf32>
      %select_n3A_304 = arith.select %eq3A_298, %broadcast_in_dim3A_302, %broadcast_in_dim3A_303 : vector<16xi1>, vector<16xf32>
      %add3A_305 = arith.addf %select_n3A_295, %select_n3A_304 : vector<16xf32>
      %eq3A_306 = arith.constant 2 : i32
      %eq3A_307 = vector.broadcast %eq3A_306 : i32 to vector<16xi32>
      %eq3A_308 = arith.cmpi eq, %iota3A, %eq3A_307 : vector<16xi32>
      %jit3A_309 = arith.constant 0.000000e+00 : f32
      %broadcast_in_dim3A_310 = vector.broadcast %squeeze3A_228 : f32 to vector<16xf32>
      %broadcast_in_dim3A_311 = vector.broadcast %jit3A_309 : f32 to vector<16xf32>
      %select_n3A_312 = arith.select %eq3A_308, %broadcast_in_dim3A_310, %broadcast_in_dim3A_311 : vector<16xi1>, vector<16xf32>
      %add3A_313 = arith.addf %add3A_305, %select_n3A_312 : vector<16xf32>
      %eq3A_314 = arith.constant 3 : i32
      %eq3A_315 = vector.broadcast %eq3A_314 : i32 to vector<16xi32>
      %eq3A_316 = arith.cmpi eq, %iota3A, %eq3A_315 : vector<16xi32>
      %jit3A_317 = arith.constant 0.000000e+00 : f32
      %broadcast_in_dim3A_318 = vector.broadcast %squeeze3A_243 : f32 to vector<16xf32>
      %broadcast_in_dim3A_319 = vector.broadcast %jit3A_317 : f32 to vector<16xf32>
      %select_n3A_320 = arith.select %eq3A_316, %broadcast_in_dim3A_318, %broadcast_in_dim3A_319 : vector<16xi1>, vector<16xf32>
      %add3A_321 = arith.addf %add3A_313, %select_n3A_320 : vector<16xf32>
      %eq3A_322 = arith.constant 4 : i32
      %eq3A_323 = vector.broadcast %eq3A_322 : i32 to vector<16xi32>
      %eq3A_324 = arith.cmpi eq, %iota3A, %eq3A_323 : vector<16xi32>
      %jit3A_325 = arith.constant 0.000000e+00 : f32
      %broadcast_in_dim3A_326 = vector.broadcast %squeeze3A_258 : f32 to vector<16xf32>
      %broadcast_in_dim3A_327 = vector.broadcast %jit3A_325 : f32 to vector<16xf32>
      %select_n3A_328 = arith.select %eq3A_324, %broadcast_in_dim3A_326, %broadcast_in_dim3A_327 : vector<16xi1>, vector<16xf32>
      %add3A_329 = arith.addf %add3A_321, %select_n3A_328 : vector<16xf32>
      %eq3A_330 = arith.constant 5 : i32
      %eq3A_331 = vector.broadcast %eq3A_330 : i32 to vector<16xi32>
      %eq3A_332 = arith.cmpi eq, %iota3A, %eq3A_331 : vector<16xi32>
      %jit3A_333 = arith.constant 0.000000e+00 : f32
      %broadcast_in_dim3A_334 = vector.broadcast %squeeze3A_273 : f32 to vector<16xf32>
      %broadcast_in_dim3A_335 = vector.broadcast %jit3A_333 : f32 to vector<16xf32>
      %select_n3A_336 = arith.select %eq3A_332, %broadcast_in_dim3A_334, %broadcast_in_dim3A_335 : vector<16xi1>, vector<16xf32>
      %add3A_337 = arith.addf %add3A_329, %select_n3A_336 : vector<16xf32>
      %eq3A_338 = arith.constant 6 : i32
      %eq3A_339 = vector.broadcast %eq3A_338 : i32 to vector<16xi32>
      %eq3A_340 = arith.cmpi eq, %iota3A, %eq3A_339 : vector<16xi32>
      %jit3A_341 = arith.constant 0.000000e+00 : f32
      %broadcast_in_dim3A_342 = vector.broadcast %squeeze3A_288 : f32 to vector<16xf32>
      %broadcast_in_dim3A_343 = vector.broadcast %jit3A_341 : f32 to vector<16xf32>
      %select_n3A_344 = arith.select %eq3A_340, %broadcast_in_dim3A_342, %broadcast_in_dim3A_343 : vector<16xi1>, vector<16xf32>
      %add3A_345 = arith.addf %add3A_337, %select_n3A_344 : vector<16xf32>
      %swap3A = arith.constant 0 : index
      %swap3A_346 = tpu.vector_load %arg28[%swap3A] {strides = array<i32>} : memref<16xf32, #tpu.memory_space<vmem>>, vector<16xf32>,
      %swap3A_347 = vector.shape_cast %swap3A_346 : vector<16xf32> to vector<16xf32>
      %swap3A_348 = vector.shape_cast %add3A_345 : vector<16xf32> to vector<16xf32>
      tpu.vector_store %arg28[%swap3A], %swap3A_348 {strides = array<i32>} : memref<16xf32, #tpu.memory_space<vmem>>, vector<16xf32>,
      %jit3A_349 = arith.constant 2 : i32
      %eq3A_350 = arith.constant 0 : i32
      %eq3A_351 = arith.cmpi eq, %jit3A_349, %eq3A_350 : i32
      %jit3A_352 = arith.constant 1 : i32
      %select_n3A_353 = arith.select %eq3A_351, %jit3A_352, %jit3A_349 : i32
      %rem3A = arith.remsi %scan3A_23, %select_n3A_353 : i32
      %ne3A = arith.constant 0 : i32
      %ne3A_354 = arith.cmpi ne, %rem3A, %ne3A : i32
      %lt3A_355 = arith.constant 0 : i32
      %lt3A_356 = arith.cmpi slt, %rem3A, %lt3A_355 : i32
      %lt3A_357 = arith.constant 0 : i32
      %lt3A_358 = arith.cmpi slt, %select_n3A_353, %lt3A_357 : i32
      %ne3A_359 = arith.xori %lt3A_356, %lt3A_358 : i1
      %and3A_360 = arith.andi %ne3A_359, %ne3A_354 : i1
      %add3A_361 = arith.addi %rem3A, %select_n3A_353 : i32
      %select_n3A_362 = arith.select %and3A_360, %add3A_361, %rem3A : i32
      %mul3A_363 = arith.constant 256 : i32
      %mul3A_364 = arith.muli %select_n3A_362, %mul3A_363 : i32
      %mul3A_365 = arith.constant 16 : i32
      %mul3A_366 = arith.muli %arg1, %mul3A_365 : i32
      %add3A_367 = arith.addi %mul3A_364, %mul3A_366 : i32
      "tpu.region"() ({
        %run_scoped3A = tpu.sem_alloc : memref<!tpu.dma_semaphore, #tpu.memory_space<semaphore_mem>>
        %dma_start3A = tpu.memref_slice %arg30[%add3A_367] : memref<512xf32, #tpu.memory_space<vmem_shared>> -> memref<16xf32, #tpu.memory_space<vmem_shared>>
        %dma_start3A_400 = tpu.memref_slice %arg30[%add3A_367] : memref<512xf32, #tpu.memory_space<vmem_shared>> -> memref<16xf32, #tpu.memory_space<vmem_shared>>
        tpu.enqueue_dma source(%arg28 : memref<16xf32, #tpu.memory_space<vmem>>) target(%dma_start3A_400 : memref<16xf32, #tpu.memory_space<vmem_shared>>) target_semaphore(%run_scoped3A : memref<!tpu.dma_semaphore, #tpu.memory_space<semaphore_mem>>)
        %dma_wait3A = tpu.memref_slice %arg30[%add3A_367] : memref<512xf32, #tpu.memory_space<vmem_shared>> -> memref<16xf32, #tpu.memory_space<vmem_shared>>
        %dma_wait3A_401 = tpu.memref_slice %arg30[%add3A_367] : memref<512xf32, #tpu.memory_space<vmem_shared>> -> memref<16xf32, #tpu.memory_space<vmem_shared>>
        tpu.wait_dma2 semaphore(%run_scoped3A : memref<!tpu.dma_semaphore, #tpu.memory_space<semaphore_mem>>) src(%arg28 : memref<16xf32, #tpu.memory_space<vmem>>) dst(%dma_wait3A_401 : memref<16xf32, #tpu.memory_space<vmem_shared>>)
        tpu.yield
      }) : () -> ()
      %barrier3A = arith.constant 0 : index
      tpu.barrier barrier_id(%barrier3A)
      "tpu.region"() ({
        %run_scoped3A = tpu.sem_alloc : memref<!tpu.dma_semaphore, #tpu.memory_space<semaphore_mem>>
        %dma_start3A = tpu.memref_slice %arg30[%mul3A_364] : memref<512xf32, #tpu.memory_space<vmem_shared>> -> memref<256xf32, #tpu.memory_space<vmem_shared>>
        %dma_start3A_400 = tpu.memref_slice %arg30[%mul3A_364] : memref<512xf32, #tpu.memory_space<vmem_shared>> -> memref<256xf32, #tpu.memory_space<vmem_shared>>
        tpu.enqueue_dma source(%dma_start3A_400 : memref<256xf32, #tpu.memory_space<vmem_shared>>) target(%arg27 : memref<256xf32, #tpu.memory_space<vmem>>) target_semaphore(%run_scoped3A : memref<!tpu.dma_semaphore, #tpu.memory_space<semaphore_mem>>)
        %dma_wait3A = tpu.memref_slice %arg30[%mul3A_364] : memref<512xf32, #tpu.memory_space<vmem_shared>> -> memref<256xf32, #tpu.memory_space<vmem_shared>>
        %dma_wait3A_401 = tpu.memref_slice %arg30[%mul3A_364] : memref<512xf32, #tpu.memory_space<vmem_shared>> -> memref<256xf32, #tpu.memory_space<vmem_shared>>
        tpu.wait_dma2 semaphore(%run_scoped3A : memref<!tpu.dma_semaphore, #tpu.memory_space<semaphore_mem>>) src(%dma_wait3A_401 : memref<256xf32, #tpu.memory_space<vmem_shared>>) dst(%arg27 : memref<256xf32, #tpu.memory_space<vmem>>)
        tpu.yield
      }) : () -> ()
      %scan3A_368 = arith.constant -3.000000e+00 : f32
      %scan3A_369 = arith.constant 3.000000e+07 : f32
      %scan3A_370 = arith.constant 0 : i32
      %scan3A_371 = arith.constant 0 : i32
      %scan3A_372 = arith.constant 16 : i32
      %scan3A_373 = arith.addi %scan3A_371, %scan3A_372 : i32
      %scan3A_374 = arith.constant 1 : i32
      %scan3A_375:3 = scf.for %scan3A_400 = %scan3A_371 to %scan3A_373 step %scan3A_374 iter_args(%scan3A_401 = %scan3A_368, %scan3A_402 = %scan3A_369, %scan3A_403 = %scan3A_370) -> (f32, f32, i32)  : i32 {
        %mul3A_404 = arith.constant 16 : i32
        %mul3A_405 = arith.muli %scan3A_400, %mul3A_404 : i32
        %get3A_406 = arith.index_cast %mul3A_405 : i32 to index
        %get3A_407 = tpu.vector_load %arg27[%get3A_406] {strides = array<i32>} : memref<256xf32, #tpu.memory_space<vmem>>, vector<16xf32>,
        %get3A_408 = vector.shape_cast %get3A_407 : vector<16xf32> to vector<16xf32>
        %slice3A_409 = vector.extract_strided_slice %get3A_408 {offsets = [0], sizes = [1], strides = [1]} : vector<16xf32> to vector<1xf32>
        %squeeze3A_410 = vector.extract %slice3A_409[0] : f32 from vector<1xf32>
        %slice3A_411 = vector.extract_strided_slice %get3A_408 {offsets = [1], sizes = [1], strides = [1]} : vector<16xf32> to vector<1xf32>
        %squeeze3A_412 = vector.extract %slice3A_411[0] : f32 from vector<1xf32>
        %gt3A_413 = arith.cmpf ogt, %squeeze3A_410, %scan3A_401 : f32
        %eq3A_414 = arith.cmpf oeq, %squeeze3A_410, %scan3A_401 : f32
        %lt3A_415 = arith.cmpf olt, %squeeze3A_412, %scan3A_402 : f32
        %and3A_416 = arith.andi %eq3A_414, %lt3A_415 : i1
        %or3A = arith.ori %gt3A_413, %and3A_416 : i1
        %select_n3A_417 = arith.select %or3A, %squeeze3A_410, %scan3A_401 : f32
        %select_n3A_418 = arith.select %or3A, %squeeze3A_412, %scan3A_402 : f32
        %select_n3A_419 = arith.select %or3A, %scan3A_400, %scan3A_403 : i32
        scf.yield %select_n3A_417, %select_n3A_418, %select_n3A_419 : f32, f32, i32
      }
      %scan3A_376 = arith.constant 16 : i32
      %mul3A_377 = arith.constant 16 : i32
      %mul3A_378 = arith.muli %scan3A_375#2, %mul3A_377 : i32
      %get3A_379 = arith.index_cast %mul3A_378 : i32 to index
      %get3A_380 = tpu.vector_load %arg27[%get3A_379] {strides = array<i32>} : memref<256xf32, #tpu.memory_space<vmem>>, vector<16xf32>,
      %get3A_381 = vector.shape_cast %get3A_380 : vector<16xf32> to vector<16xf32>
      %slice3A_382 = vector.extract_strided_slice %get3A_381 {offsets = [2], sizes = [1], strides = [1]} : vector<16xf32> to vector<1xf32>
      %squeeze3A_383 = vector.extract %slice3A_382[0] : f32 from vector<1xf32>
      %slice3A_384 = vector.extract_strided_slice %get3A_381 {offsets = [3], sizes = [1], strides = [1]} : vector<16xf32> to vector<1xf32>
      %squeeze3A_385 = vector.extract %slice3A_384[0] : f32 from vector<1xf32>
      %slice3A_386 = vector.extract_strided_slice %get3A_381 {offsets = [4], sizes = [1], strides = [1]} : vector<16xf32> to vector<1xf32>
      %squeeze3A_387 = vector.extract %slice3A_386[0] : f32 from vector<1xf32>
      %slice3A_388 = vector.extract_strided_slice %get3A_381 {offsets = [5], sizes = [1], strides = [1]} : vector<16xf32> to vector<1xf32>
      %squeeze3A_389 = vector.extract %slice3A_388[0] : f32 from vector<1xf32>
      %slice3A_390 = vector.extract_strided_slice %get3A_381 {offsets = [6], sizes = [1], strides = [1]} : vector<16xf32> to vector<1xf32>
      %squeeze3A_391 = vector.extract %slice3A_390[0] : f32 from vector<1xf32>
      %gt3A = arith.constant 0.000000e+00 : f32
      %gt3A_392 = arith.cmpf ogt, %scan3A_375#0, %gt3A : f32
      %eq3A_393 = arith.constant 0 : i32
      %eq3A_394 = arith.cmpi eq, %arg1, %eq3A_393 : i32
      %convert_element_type3A_395 = arith.extui %eq3A_394 : i1 to i32
      %cond3A_396 = arith.constant 0.000000e+00 : f32
      %cond3A_397 = arith.constant 0 : i32
      %cond3A_398 = arith.cmpi ne, %convert_element_type3A_395, %cond3A_397 : i32
      scf.if %cond3A_398 {
        %eq3A_400 = arith.constant 0 : i32
        %eq3A_401 = vector.broadcast %eq3A_400 : i32 to vector<16xi32>
        %eq3A_402 = arith.cmpi eq, %iota3A, %eq3A_401 : vector<16xi32>
        %broadcast_in_dim3A_403 = vector.broadcast %squeeze3A_383 : f32 to vector<16xf32>
        %broadcast_in_dim3A_404 = vector.broadcast %cond3A_396 : f32 to vector<16xf32>
        %select_n3A_405 = arith.select %eq3A_402, %broadcast_in_dim3A_403, %broadcast_in_dim3A_404 : vector<16xi1>, vector<16xf32>
        %eq3A_406 = arith.constant 1 : i32
        %eq3A_407 = vector.broadcast %eq3A_406 : i32 to vector<16xi32>
        %eq3A_408 = arith.cmpi eq, %iota3A, %eq3A_407 : vector<16xi32>
        %broadcast_in_dim3A_409 = vector.broadcast %squeeze3A_385 : f32 to vector<16xf32>
        %broadcast_in_dim3A_410 = vector.broadcast %cond3A_396 : f32 to vector<16xf32>
        %select_n3A_411 = arith.select %eq3A_408, %broadcast_in_dim3A_409, %broadcast_in_dim3A_410 : vector<16xi1>, vector<16xf32>
        %add3A_412 = arith.addf %select_n3A_405, %select_n3A_411 : vector<16xf32>
        %eq3A_413 = arith.constant 2 : i32
        %eq3A_414 = vector.broadcast %eq3A_413 : i32 to vector<16xi32>
        %eq3A_415 = arith.cmpi eq, %iota3A, %eq3A_414 : vector<16xi32>
        %broadcast_in_dim3A_416 = vector.broadcast %squeeze3A_387 : f32 to vector<16xf32>
        %broadcast_in_dim3A_417 = vector.broadcast %cond3A_396 : f32 to vector<16xf32>
        %select_n3A_418 = arith.select %eq3A_415, %broadcast_in_dim3A_416, %broadcast_in_dim3A_417 : vector<16xi1>, vector<16xf32>
        %add3A_419 = arith.addf %add3A_412, %select_n3A_418 : vector<16xf32>
        %eq3A_420 = arith.constant 3 : i32
        %eq3A_421 = vector.broadcast %eq3A_420 : i32 to vector<16xi32>
        %eq3A_422 = arith.cmpi eq, %iota3A, %eq3A_421 : vector<16xi32>
        %broadcast_in_dim3A_423 = vector.broadcast %squeeze3A_389 : f32 to vector<16xf32>
        %broadcast_in_dim3A_424 = vector.broadcast %cond3A_396 : f32 to vector<16xf32>
        %select_n3A_425 = arith.select %eq3A_422, %broadcast_in_dim3A_423, %broadcast_in_dim3A_424 : vector<16xi1>, vector<16xf32>
        %add3A_426 = arith.addf %add3A_419, %select_n3A_425 : vector<16xf32>
        %eq3A_427 = arith.constant 4 : i32
        %eq3A_428 = vector.broadcast %eq3A_427 : i32 to vector<16xi32>
        %eq3A_429 = arith.cmpi eq, %iota3A, %eq3A_428 : vector<16xi32>
        %broadcast_in_dim3A_430 = vector.broadcast %scan3A_375#0 : f32 to vector<16xf32>
        %broadcast_in_dim3A_431 = vector.broadcast %cond3A_396 : f32 to vector<16xf32>
        %select_n3A_432 = arith.select %eq3A_429, %broadcast_in_dim3A_430, %broadcast_in_dim3A_431 : vector<16xi1>, vector<16xf32>
        %add3A_433 = arith.addf %add3A_426, %select_n3A_432 : vector<16xf32>
        %broadcast_in_dim3A_434 = arith.constant 0.000000e+00 : f32
        %broadcast_in_dim3A_435 = vector.broadcast %broadcast_in_dim3A_434 : f32 to vector<16xf32>
        %select_n3A_436 = arith.select %gt3A_392, %add3A_433, %broadcast_in_dim3A_435 : vector<16xf32>
        %mul3A_437 = arith.constant 16 : i32
        %mul3A_438 = arith.muli %scan3A_23, %mul3A_437 : i32
        %swap3A_439 = arith.index_cast %mul3A_438 : i32 to index
        %swap3A_440 = tpu.vector_load %arg29[%swap3A_439] {strides = array<i32>} : memref<1600xf32, #tpu.memory_space<vmem>>, vector<16xf32>,
        %swap3A_441 = vector.shape_cast %swap3A_440 : vector<16xf32> to vector<16xf32>
        %swap3A_442 = vector.shape_cast %select_n3A_436 : vector<16xf32> to vector<16xf32>
        tpu.vector_store %arg29[%swap3A_439], %swap3A_442 {strides = array<i32>} : memref<1600xf32, #tpu.memory_space<vmem>>, vector<16xf32>,
      } else {
      }
      %convert_element_type3A_399 = arith.fptosi %scan3A_375#1 : f32 to i32
      scf.yield %scan3A_375#0, %convert_element_type3A_399, %squeeze3A_383, %squeeze3A_385, %squeeze3A_387, %squeeze3A_389, %squeeze3A_391 : f32, i32, f32, f32, f32, f32, f32
    }
    %scan3A_20 = arith.constant 100 : i32
    %eq3A = arith.constant 0 : i32
    %eq3A_21 = arith.cmpi eq, %arg1, %eq3A : i32
    %convert_element_type3A = arith.extui %eq3A_21 : i1 to i32
    %cond3A = arith.constant 0 : i32
    %cond3A_22 = arith.cmpi ne, %convert_element_type3A, %cond3A : i32
    scf.if %cond3A_22 {
      "tpu.region"() ({
        %run_scoped3A = tpu.sem_alloc : memref<!tpu.dma_semaphore, #tpu.memory_space<semaphore_mem>>
        tpu.enqueue_dma source(%arg29 : memref<1600xf32, #tpu.memory_space<vmem>>) target(%arg11 : memref<1600xf32, #tpu.memory_space<hbm>>) target_semaphore(%run_scoped3A : memref<!tpu.dma_semaphore, #tpu.memory_space<semaphore_mem>>)
        tpu.wait_dma2 semaphore(%run_scoped3A : memref<!tpu.dma_semaphore, #tpu.memory_space<semaphore_mem>>) src(%arg29 : memref<1600xf32, #tpu.memory_space<vmem>>) dst(%arg11 : memref<1600xf32, #tpu.memory_space<hbm>>)
        tpu.yield
      }) : () -> ()
    } else {
    }
    return
  }
}

</mosaic_0001>

<sc_bundles>
// kernel: kernel.3.cloned.1.call-start
scs
__scs_entry_jumppad:
0x0: {  	(pc) =	sbr.rel $0x88, $3  }
0x1: {  	(tag) =	ssettag $0x0;
	lr =	simm.s32 $0x1  }
0x2: {  	[smem:$0x3F9E] =	sst lr;
	_ =	strace $0xD0000000  }
0x3: {  	_ = 	snop  }
0x4: {  	_ = 	snop  }
0x5: {  	_ = 	snop  }
0x6: {  	_ = 	snop  }
0x7: {  	_ = 	snop  }
__scs_overlays_trampoline_lowered:
0x8: {  	[smem:$0x3FAD] =	sst s0  }
0x9: {  	[smem:$0x3FAE] =	sst s1  }
0xa: {  	[smem:$0x3FAF] =	sst s2  }
0xb: {  	[smem:$0x3FB0] =	sst s3  }
0xc: {  	[smem:$0x3FB1] =	sst s4  }
0xd: {  	[smem:$0x3FB2] =	sst s5  }
0xe: {  	[smem:$0x3FB3] =	sst s6  }
0xf: {  	[smem:$0x3FB4] =	sst s7  }
0x10: {  	[smem:$0x3FB5] =	sst s8  }
0x11: {  	[smem:$0x3FB6] =	sst s9;
	s0 =	simm.s32 @!p0 $0x0  }
0x12: {  	s1 =	sld [smem:$0x3F9C];
	s0 =	simm.s32 @p0 $0x1  }
0x13: {  	[smem:$0x3FB7] =	sst s0;
	s0 =	simm.s32 @!p1 $0x0  }
0x14: {  	s2 =	sld [smem:$0x3F9B];
	s0 =	simm.s32 @p1 $0x1  }
0x15: {  	[smem:$0x3FB8] =	sst s0;
	s0 =	simm.s32 @!p2 $0x0  }
0x16: {  	s3 =	sld [smem:$0x3FDB];
	s0 =	simm.s32 @p2 $0x1  }
0x17: {  	s4 =	simm.s32 $0x1BF5;
	[smem:$0x3FBA] =	sst s0  }
0x18: {  	s0 =	sld [smem:$0x3F9D];
	_ =	swait.ge [sflag:s4], $0x0  }
0x19: {  	s7 =	sld [smem:$0x3F9E]  }
0x1a: {  	s8 =	sadd.s32 $0xFFFFE003, lr  }
0x1b: {  	s9 =	sadd.s32 $0xFFFFFEF7, lr;
	s5 =	simm.s32 $0xFFFFFFFF;
	p2 =	slt.u32 s8, $0xFFFFF086  }
0x1c: {  	p1 =	slt.u32 s9, $0xF7A;
	s5 =	simm.s32 @!p2 $0x0  }
0x1d: {  	s5 =	simm.s32 @p1 $0x1;
	p0 =	seq.s32 s7, s2  }
0x1e: {  	s7 =	smul.u32 @!p0 $0xF7A, s2;
	p2 =	seq.s32 @!p0 s5, $0x0  }
0x1f: {  	s9 =	smul.u32 $0xF7A, s1;
	s8 =	simm.s32 @!p0 $0x1BF5;
	p2 =	por !p2, p0  }
0x20: {  	[sflag:s8] =	ssyncset.s32 @!p0 $0xFFFFF086;
	s6 =	sadd.s32 @!p0 s3, s7;
	s7 =	simm.s32 @!p0 $0x108  }
0x21: {  	s3 =	sadd.s32 s3, s9;
	s6 =	sadd.s32 @!p0 $0x88, s6;
	s7 =	simm.s32 @p2 $0x1082  }
0x22: {  	[simem:s7], [sflag:s8] =	dma.local @!p0 [hbm:s6], $0xF7A  }
0x23: {  	s9 =	sor.u32 $0xD0000000, s2;
	s6 =	simm.s32 $0x108;
	_ =	swait.ge @!p0 [sflag:s8], $0x0  }
0x24: {  	s3 =	sadd.s32 $0x88, s3;
	s6 =	simm.s32 @!p1 $0x1082;
	[sflag:s4] =	ssyncset.s32 $0xFFFFF086  }
0x25: {  	[simem:s6], [sflag:s4] =	dma.local [hbm:s3], $0xF7A  }
0x26: {  	[smem:$0x3F9E] =	sst s1;
	(tag) =	ssettag s2;
	_ =	strace s9  }
0x27: {  	s1 =	sld [smem:$0x3FAE]  }
0x28: {  	s2 =	sld [smem:$0x3FAF]  }
0x29: {  	s4 =	sld [smem:$0x3FB1]  }
0x2a: {  	p0 =	seq.s32 s5, $0x0;
	s5 =	sld [smem:$0x3FB2]  }
0x2b: {  	s6 =	sld [smem:$0x3FB3]  }
0x2c: {  	s7 =	sld [smem:$0x3FB4]  }
0x2d: {  	s3 =	simm.s32 $0x108;
	s8 =	sld [smem:$0x3FB5]  }
0x2e: {  	s3 =	simm.s32 @!p0 $0x1082;
	s9 =	sld [smem:$0x3FB6]  }
0x2f: {  	lr =	sadd.s32 s0, s3;
	s0 =	sld [smem:$0x3FAD]  }
0x30: {  	s3 =	sld [smem:$0x3FB0]  }
0x31: {  	[smem:$0x3FB9] =	sst s10  }
0x32: {  	s10 =	sld [smem:$0x3FB7];
	_ =	sdelay $0x3  }
0x33: {  	p0 =	seq.s32 s10, $0x1;
	s10 =	sld [smem:$0x3FB9];
	_ =	sdelay $0x3  }
0x34: {  	[smem:$0x3FB9] =	sst s10  }
0x35: {  	s10 =	sld [smem:$0x3FB8];
	_ =	sdelay $0x3  }
0x36: {  	p1 =	seq.s32 s10, $0x1;
	s10 =	sld [smem:$0x3FB9];
	_ =	sdelay $0x3  }
0x37: {  	[smem:$0x3FB9] =	sst s10  }
0x38: {  	s10 =	sld [smem:$0x3FBA]  }
0x39: {  	_ = 	snop;
	(pc) =	sbr.ind lr, $3  }
0x3a: {  	_ = 	snop  }
0x3b: {  	_ = 	snop  }
0x3c: {  	p2 =	seq.s32 s10, $0x1;
	s10 =	sld [smem:$0x3FB9]  }
0x3d: {  	_ =	shalt  }
0x3e: {  	_ =	shalt  }
0x3f: {  	_ =	shalt  }
0x40: {  	_ =	shalt  }
0x41: {  	_ =	shalt  }
0x42: {  	_ =	shalt  }
0x43: {  	_ =	shalt  }
0x44: {  	_ =	shalt  }
0x45: {  	_ =	shalt  }
0x46: {  	_ =	shalt  }
0x47: {  	_ =	shalt  }
0x48: {  	_ =	shalt  }
0x49: {  	_ =	shalt  }
0x4a: {  	_ =	shalt  }
0x4b: {  	_ =	shalt  }
0x4c: {  	_ =	shalt  }
0x4d: {  	_ =	shalt  }
0x4e: {  	_ =	shalt  }
0x4f: {  	_ =	shalt  }
0x50: {  	_ =	shalt  }
0x51: {  	_ =	shalt  }
0x52: {  	_ =	shalt  }
0x53: {  	_ =	shalt  }
0x54: {  	_ =	shalt  }
0x55: {  	_ =	shalt  }
0x56: {  	_ =	shalt  }
0x57: {  	_ =	shalt  }
0x58: {  	_ =	shalt  }
0x59: {  	_ =	shalt  }
0x5a: {  	_ =	shalt  }
0x5b: {  	_ =	shalt  }
0x5c: {  	_ =	shalt  }
0x5d: {  	_ =	shalt  }
0x5e: {  	_ =	shalt  }
0x5f: {  	_ =	shalt  }
0x60: {  	_ =	shalt  }
0x61: {  	_ =	shalt  }
0x62: {  	_ =	shalt  }
0x63: {  	_ =	shalt  }
0x64: {  	_ =	shalt  }
0x65: {  	_ =	shalt  }
0x66: {  	_ =	shalt  }
0x67: {  	_ =	shalt  }
0x68: {  	_ =	shalt  }
0x69: {  	_ =	shalt  }
0x6a: {  	_ =	shalt  }
0x6b: {  	_ =	shalt  }
0x6c: {  	_ =	shalt  }
0x6d: {  	_ =	shalt  }
0x6e: {  	_ =	shalt  }
0x6f: {  	_ =	shalt  }
0x70: {  	_ =	shalt  }
0x71: {  	_ =	shalt  }
0x72: {  	_ =	shalt  }
0x73: {  	_ =	shalt  }
0x74: {  	_ =	shalt  }
0x75: {  	_ =	shalt  }
0x76: {  	_ =	shalt  }
0x77: {  	_ =	shalt  }
0x78: {  	_ =	shalt  }
0x79: {  	_ =	shalt  }
0x7a: {  	_ =	shalt  }
0x7b: {  	_ =	shalt  }
0x7c: {  	_ =	shalt  }
0x7d: {  	_ =	shalt  }
0x7e: {  	_ =	shalt  }
0x7f: {  	_ =	shalt  }
0x80: {  	_ =	shalt  }
0x81: {  	_ =	shalt  }
0x82: {  	_ =	shalt  }
0x83: {  	_ =	shalt  }
0x84: {  	_ =	shalt  }
0x85: {  	_ =	shalt  }
0x86: {  	_ =	shalt  }
0x87: {  	_ =	shalt  }
.Lfunc_end0:
.L_simem_size_0:
called_computation_lowered:
.L_overlay_start_0:
0x88: {  	s0 =	sld [smem:$0x3FD9]  }
0x89: {  	s1 =	sld [smem:$0x3FFE];
	_ =	sdelay $0x3  }
0x8a: {  	s0 =	sadd.s32 s1, s0  }
0x8b: {  	[smem:$0x3FC5] =	sst s0  }
0x8c: {  	_ = 	snop  }
0x8d: {  	(tm) =	ssettm $0x1  }
0x8e: {  	s15 =	sld [smem:$0x3FFB];
	_ =	sdelay $0x3  }
0x8f: {  	_ =	strace s15  }
0x90: {  	s0 =	sld [smem:$0x3FFC];
	_ =	sdelay $0x3  }
0x91: {  	_ =	strace s0  }
0x92: {  	s0 =	sld [smem:$0x3FFD];
	_ =	sdelay $0x3  }
0x93: {  	_ =	strace s0  }
0x94: {  	_ =	strace $0x8FFFFFFF  }
0x95: {  	s16 =	sld [smem:$0x3FDB];
	_ =	sdelay $0x1  }
0x96: {  	s17 =	simm.s32 $_scs_section_size  }
0x97: {  	s2 =	simm.s32 $_size__tile_overlayer_lowered;
	s3 =	simm.s32 $_tile_overlayer_lowered  }
0x98: {  	s20 =	simm.s32 $0x1BFF;
	s19 =	sshll.u32 s3, $0x1;
	s0 =	sadd.s32 s17, s16  }
0x99: {  	s4 =	simm.s32 $0x0;
	s18 =	sshll.u32 s2, $0x1;
	s2 =	sadd.s32 s19, s0  }
0x9a: {  	[timem:s4], [sflag:s20] =	dma.local [hbm:s2], s18  }
0x9b: {  	_ =	swait.ge [sflag:s20], s18  }
0x9c: {  	s1 =	ssub.s32 $0x0, s18;
	[sflag:s20] =	ssyncset.done $0x0  }
0x9d: {  	[sflag:s20] =	ssyncadd.s32 s1;
	_ =	sdelay $0x1  }
0x9e: {  	s21 =	simm.s32 $0x1B8B  }
0x9f: {  	_ =	swait.ge [sflag:s21], $0x1  }
0xa0: {  	[sflag:s21] =	ssyncset.done $0x0  }
0xa1: {  	s23 =	simm.s32 $0x1B8E;
	s22 =	sld [smem:$0x3FFE];
	[sflag:s21] =	ssyncadd.s32 $0xFFFFFFFF  }
0xa2: {  	s24 =	simm.s32 $execute0_lowered;
	[smem:$0x3FD2] =	sst s23  }
0xa3: {  	s2 =	sshll.u32 s24, $0x1;
	_ =	strace $0x80000046;
	[dreg:$0x1] =	wrdreg $0xFFFFFFFF  }
0xa4: {  	s25 =	simm.s32 $_size_execute0_lowered;
	s0 =	sadd.s32 s0, s2;
	[dreg:$0x0] =	wrdreg $0x0  }
0xa5: {  	s2 =	sshll.u32 s25, $0x1;
	[dreg:$0x2] =	wrdreg s0  }
0xa6: {  	[dreg:$0x3] =	wrdreg s2  }
0xa7: {  	[dreg:$0x4] =	wrdreg $0xC0  }
0xa8: {  	_ =	task [dreg:s4], $0x5FFFF  }
0xa9: {  	[dreg:$0x1] =	wrdreg $0xFFFFFFFF  }
0xaa: {  	[dreg:$0x0] =	wrdreg $0x60  }
0xab: {  	[dreg:$0x2] =	wrdreg s22  }
0xac: {  	[dreg:$0x3] =	wrdreg $0x53000  }
0xad: {  	[dreg:$0x4] =	wrdreg $0x9  }
0xae: {  	_ =	task.clear_ibuf [dreg:s4], $0x5FFFF;
	_ =	strace $0x90000046  }
0xaf: {  	s26 =	simm.s32 $0x9;
	_ =	strace $0x80000048  }
0xb0: {  	_ =	swait.ge [sflag:s26], $0x1  }
0xb1: {  	[sflag:s26] =	ssyncadd.s32 $0xFFFFFFFF  }
0xb2: {  	_ =	strace $0x90000048  }
0xb3: {  	_ =	sfence  }
0xb4: {  	s28 =	sld [smem:$0x0];
	_ =	sdelay $0x1  }
0xb5: {  	s29 =	srdreg.scid  }
0xb6: {  	s30 =	sshll.u32 s29, $0xD;
	s31 =	sshrl.u32 s29, $0x2  }
0xb7: {  	s1 =	sand.u32 $0x1, s29;
	s2 =	sand.u32 $0x4000, s30;
	s0 =	sadd.s32 s31, s28  }
0xb8: {  	s1 =	sor.u32 s2, s1;
	s0 =	sshll.u32 s0, $0x11  }
0xb9: {  	s0 =	sor.u32 s0, s1  }
0xba: {  	s0 =	sadd.s32 $0x8F2B, s0  }
0xbb: {  	[sflag:s0] =	ssyncadd.remote.s32 $0x1  }
0xbc: {  	_ =	sfence.sel $0xFFFF  }
0xbd: {  	[dreg:$0x0] =	wrdreg $0xFFFFFFFF;
	(pc) =	sbr.abs _section_cstart, $3  }
0xbe: {  	[dreg:$0x1] =	wrdreg $0xFFFFFFFF  }
0xbf: {  	_ =	task.clear_ibuf [dreg:s4], $0x2FFFF;
	_ =	strace $0x9FFFFFFF  }
0xc0: {  	(tm) =	ssettm $0x7FFFFFFF  }
0xc1: {  	_ =	shalt  }
tec
execute0_lowered:
.L_overlay_start_1:
0x0: {  	(tag) =	ssettag $0x1  }
0x1: {  	s6 =	rddreg [dreg:$0x0]  }
0x2: {  	s1 =	rddreg [dreg:$0x1];
	s3 =	simm.s32 $0x0  }
0x3: {  	[smem:$0x7FF] =	sst s3  }
0x4: {  	s0 =	rddreg [dreg:$0x2];
	v0 =	vimm.f32 $2.000000000e+00;
	_ =	strace $0x80000047  }
0x5: {  	(erf) = vrcp.f32 v0;
	_ =	sdelay $0x2  }
0x6: {  	s7 =	stileid.u32  }
0x7: {  	s2 =	smul.u32 $0x500, s7;
	_ =	sdelay $0x1  }
0x8: {  	s4 =	sshrl.u32 s2, $0x3  }
0x9: {  	s4 =	sadd.s32 s6, s4  }
0xa: {  	s8 =	simm.s32 $0x1E00;
	s17 =	simm.s32 $0x1;
	s5 =	sadd.s32 $0x1E00, s4  }
0xb: {  	[tilespmem:s8], [sflag:$0x1] =	stream.linear.gather [hbm4b:s5+s3], $0x500, $0x38;
	v0 =	vpop (erf);
	[tilespmem:$0x5320] =	vst v63  }
0xc: {  	_ =	swait.ge [sflag:s17], $0x500  }
0xd: {  	[sflag:s17] =	ssyncset.done $0x0  }
0xe: {  	s9 =	simm.s32 $0x2300;
	s18 =	sadd.s32 $0x1400, s4;
	[sflag:s17] =	ssyncadd.s32 $0xFFFFFB00  }
0xf: {  	[tilespmem:s9], [sflag:$0x1] =	stream.linear.gather [hbm4b:s18+s3], $0x500, $0x38;
	[tilespmem:$0x5320] =	vst v63  }
0x10: {  	_ =	swait.ge [sflag:s17], $0x500  }
0x11: {  	[sflag:s17] =	ssyncset.done $0x0  }
0x12: {  	s20 =	simm.s32 $0x2800;
	s19 =	sadd.s32 $0xA00, s4;
	[sflag:s17] =	ssyncadd.s32 $0xFFFFFB00  }
0x13: {  	[tilespmem:s20], [sflag:$0x1] =	stream.linear.gather [hbm4b:s19+s3], $0x500, $0x38;
	[tilespmem:$0x5320] =	vst v63  }
0x14: {  	_ =	swait.ge [sflag:s17], $0x500  }
0x15: {  	[sflag:s17] =	ssyncset.done $0x0  }
0x16: {  	s21 =	simm.s32 $0x2D00;
	[sflag:s17] =	ssyncadd.s32 $0xFFFFFB00  }
0x17: {  	[tilespmem:s21], [sflag:$0x1] =	stream.linear.gather [hbm4b:s4+s3], $0x500, $0x38;
	[tilespmem:$0x5320] =	vst v63  }
0x18: {  	_ =	swait.ge [sflag:s17], $0x500  }
0x19: {  	[sflag:s17] =	ssyncset.done $0x0  }
0x1a: {  	s23 =	simm.s32 $0x3200;
	s22 =	sadd.s32 $0x5000, s4;
	[sflag:s17] =	ssyncadd.s32 $0xFFFFFB00  }
0x1b: {  	[tilespmem:s23], [sflag:$0x1] =	stream.linear.gather [hbm4b:s22+s3], $0x500, $0x38;
	[tilespmem:$0x5320] =	vst v63  }
0x1c: {  	_ =	swait.ge [sflag:s17], $0x500  }
0x1d: {  	[sflag:s17] =	ssyncset.done $0x0  }
0x1e: {  	s25 =	simm.s32 $0x3700;
	s24 =	sadd.s32 $0x4600, s4;
	[sflag:s17] =	ssyncadd.s32 $0xFFFFFB00  }
0x1f: {  	[tilespmem:s25], [sflag:$0x1] =	stream.linear.gather [hbm4b:s24+s3], $0x500, $0x38;
	[tilespmem:$0x5320] =	vst v63  }
0x20: {  	_ =	swait.ge [sflag:s17], $0x500  }
0x21: {  	[sflag:s17] =	ssyncset.done $0x0  }
0x22: {  	s28 =	simm.s32 $0x3C00;
	s26 =	sadd.s32 $0x3C00, s4;
	[sflag:s17] =	ssyncadd.s32 $0xFFFFFB00  }
0x23: {  	[tilespmem:s28], [sflag:$0x1] =	stream.linear.gather [hbm4b:s26+s3], $0x500, $0x38;
	[tilespmem:$0x5320] =	vst v63  }
0x24: {  	_ =	swait.ge [sflag:s17], $0x500  }
0x25: {  	[sflag:s17] =	ssyncset.done $0x0  }
0x26: {  	s30 =	simm.s32 $0x4100;
	s29 =	sadd.s32 $0x3200, s4;
	[sflag:s17] =	ssyncadd.s32 $0xFFFFFB00  }
0x27: {  	[tilespmem:s30], [sflag:$0x1] =	stream.linear.gather [hbm4b:s29+s3], $0x500, $0x38;
	[tilespmem:$0x5320] =	vst v63  }
0x28: {  	_ =	swait.ge [sflag:s17], $0x500  }
0x29: {  	[sflag:s17] =	ssyncset.done $0x0  }
0x2a: {  	s31 =	simm.s32 $0x4600;
	s4 =	sadd.s32 $0x2800, s4;
	[sflag:s17] =	ssyncadd.s32 $0xFFFFFB00  }
0x2b: {  	[tilespmem:s31], [sflag:$0x1] =	stream.linear.gather [hbm4b:s4+s3], $0x500, $0x38;
	[tilespmem:$0x5320] =	vst v63  }
0x2c: {  	_ =	swait.ge [sflag:s17], $0x500  }
0x2d: {  	[sflag:s17] =	ssyncset.done $0x0  }
0x2e: {  	s8 =	simm.s32 $0x0;
	[sflag:s17] =	ssyncadd.s32 $0xFFFFFB00  }
0x2f: {  	v5 =	vld [tilespmem:s8+$0x4630]  }
0x30: {  	v2 =	vld [tilespmem:s8+$0x4100]  }
0x31: {  	v6 =	vld [tilespmem:s8+$0x2820]  }
0x32: {  	v1 =	vld [tilespmem:s8+$0x4610]  }
0x33: {  	v3 =	vld [tilespmem:s8+$0x2330]  }
0x34: {  	v4 =	vld [tilespmem:s8+$0x4120]  }
0x35: {  	v7 =	vld [tilespmem:s8+$0x1E00]  }
0x36: {  	v8 =	vld [tilespmem:s8+$0x2310];
	v6 =	vmul.f32 $2.000000030e-01, v6  }
0x37: {  	v9 =	vld [tilespmem:s8+$0x1E30]  }
0x38: {  	v10 =	vld [tilespmem:s8+$0x1E20];
	v6 =	vmul.f32 $1.442695020e+00, v6  }
0x39: {  	v13 =	vld [tilespmem:s8+$0x2800]  }
0x3a: {  	v15 =	vld [tilespmem:s8+$0x2D10];
	(erf) = vpow2.f32 v6  }
0x3b: {  	v11 =	vld [tilespmem:s8+$0x2D30]  }
0x3c: {  	v12 =	vld [tilespmem:s8+$0x2810]  }
0x3d: {  	v14 =	vld [tilespmem:s8+$0x2830]  }
0x3e: {  	v16 =	vld [tilespmem:s8+$0x2D00];
	v13 =	vmul.f32 $2.000000030e-01, v13  }
0x3f: {  	v17 =	vld [tilespmem:s8+$0x3230];
	v15 =	vmul.f32 $2.000000030e-01, v15  }
0x40: {  	v24 =	vld [tilespmem:s8+$0x1E10];
	v10 =	vmul.f32 $1.000000010e-01, v10;
	v13 =	vmul.f32 $1.442695020e+00, v13  }
0x41: {  	v21 =	vld [tilespmem:s8+$0x3720];
	v12 =	vmul.f32 $2.000000030e-01, v12;
	v15 =	vmul.f32 $1.442695020e+00, v15  }
0x42: {  	v19 =	vld [tilespmem:s8+$0x2D20];
	v8 =	vmul.f32 $1.000000010e-01, v8;
	(erf) = vpow2.f32 v13  }
0x43: {  	v18 =	vld [tilespmem:s8+$0x3220];
	v16 =	vmul.f32 $2.000000030e-01, v16;
	(erf) = vpow2.f32 v15;
	v22 =	vpop (erf)  }
0x44: {  	v10 =	vmul.f32 v10, v4;
	v6 =	vld [tilespmem:s8+$0x3210];
	v4 =	vmul.f32 v22, v4  }
0x45: {  	v24 =	vmul.f32 $1.000000010e-01, v24;
	v14 =	vmul.f32 $2.000000030e-01, v14;
	v13 =	vld [tilespmem:s8+$0x3C10]  }
0x46: {  	v20 =	vld [tilespmem:s8+$0x3200];
	v10 =	vadd.f32 v10, v21;
	v21 =	vmul.f32 v4, v0;
	v4 =	vmul.f32 $1.442695020e+00, v12  }
0x47: {  	v26 =	vld [tilespmem:s8+$0x4110];
	v19 =	vmul.f32 $2.000000030e-01, v19;
	v11 =	vmul.f32 $2.000000030e-01, v11  }
0x48: {  	v23 =	vld [tilespmem:s8+$0x3730];
	v18 =	vsub.f32 $0.0e+00, v18;
	(erf) = vpow2.f32 v4;
	v4 =	vmul.f32 v8, v1  }
0x49: {  	v25 =	vld [tilespmem:s8+$0x4600];
	v9 =	vmul.f32 $1.000000010e-01, v9;
	v16 =	vmul.f32 $1.442695020e+00, v16;
	v6 =	vsub.f32 $0.0e+00, v6  }
0x4a: {  	v27 =	vld [tilespmem:s8+$0x3700];
	v7 =	vmul.f32 $1.000000010e-01, v7;
	v13 =	vadd.f32 v4, v13;
	v4 =	vmul.f32 $1.442695020e+00, v18  }
0x4b: {  	v28 =	vld [tilespmem:s8+$0x2320];
	v6 =	vmul.f32 $1.442695020e+00, v6;
	v29 =	vpop (erf);
	(erf) = vpow2.f32 v16  }
0x4c: {  	v30 =	vld [tilespmem:s8+$0x4620];
	v24 =	vmul.f32 v24, v26;
	v8 =	vpop (erf);
	(erf) = vpow2.f32 v4  }
0x4d: {  	v31 =	vld [tilespmem:s8+$0x3C30];
	v12 =	vsub.f32 v10, v21;
	v1 =	vmul.f32 v8, v1;
	(erf) = vpow2.f32 v6  }
0x4e: {  	v15 =	vld [tilespmem:s8+$0x4130];
	v10 =	vadd.f32 v21, v10;
	v21 =	vmul.f32 $1.000000010e-01, v3;
	v3 =	vsub.f32 $0.0e+00, v17  }
0x4f: {  	vm0 =	vmxor vm0, vm0;
	v14 =	vmul.f32 $1.442695020e+00, v14;
	v8 =	vld [tilespmem:s8+$0x3710];
	v32 =	vmul.f32 v1, v0  }
0x50: {  	vm1 =	vmmov vm0;
	v19 =	vmul.f32 $1.442695020e+00, v19;
	v22 =	vld [tilespmem:s8+$0x2300];
	v3 =	vmul.f32 $1.442695020e+00, v3  }
0x51: {  	v33 =	vld [tilespmem:s8+$0x3C00];
	v11 =	vmul.f32 $1.442695020e+00, v11;
	v7 =	vmul.f32 v7, v2;
	v16 =	vadd.f32 v32, v13;
	v56 =	vpop (erf)  }
0x52: {  	s9 =	simm.s32 $0x40;
	[tilespmem:s8+$0x520] =	vst v12;
	v18 =	vld [tilespmem:s8+$0x3C20];
	v13 =	vsub.f32 v13, v32;
	(erf) = vpow2.f32 v14;
	v32 =	vmul.f32 v56, v26  }
0x53: {  	v20 =	vsub.f32 $0.0e+00, v20;
	v29 =	vmul.f32 v29, v2;
	v1 =	vld [tilespmem:s9+$0x4630];
	(erf) = vpow2.f32 v3  }
0x54: {  	v9 =	vmul.f32 v9, v15;
	v4 =	vld [tilespmem:s9+$0x4100];
	v24 =	vadd.f32 v24, v8;
	[tilespmem:s8+$0x1410] =	vst v16;
	v3 =	vpop (erf);
	v26 =	vmul.f32 v32, v0  }
0x55: {  	v7 =	vadd.f32 v7, v27;
	v29 =	vmul.f32 v29, v0;
	v14 =	vmul.f32 $1.000000010e-01, v22;
	v6 =	vld [tilespmem:s9+$0x4610];
	[tilespmem:s8+$0xA10] =	vst v13;
	v35 =	vpop (erf)  }
0x56: {  	v17 =	vld [tilespmem:s9+$0x2330];
	[tilespmem:s8+$0xF20] =	vst v10;
	(erf) = vpow2.f32 v19;
	v3 =	vmul.f32 v3, v25;
	v22 =	vsub.f32 v24, v26;
	v19 =	vpop (erf)  }
0x57: {  	v14 =	vmul.f32 v14, v25;
	v8 =	vld [tilespmem:s9+$0x4120];
	v24 =	vadd.f32 v26, v24;
	v19 =	vadd.f32 $1.000000000e+00, v19  }
0x58: {  	v9 =	vadd.f32 v9, v23;
	v57 =	vld [tilespmem:s9+$0x1E00];
	v26 =	vmul.f32 v3, v0;
	v3 =	vmul.f32 $1.442695020e+00, v20  }
0x59: {  	v21 =	vmul.f32 v21, v5;
	v34 =	vld [tilespmem:s9+$0x2310];
	v14 =	vadd.f32 v14, v33;
	[tilespmem:s8+$0x510] =	vst v22;
	(erf) = vrcp.f32 v19  }
0x5a: {  	v13 =	vsub.f32 v16, v13;
	v25 =	vld [tilespmem:s9+$0x1E30];
	[tilespmem:s8+$0xF10] =	vst v24;
	v19 =	vsub.f32 v24, v22;
	(erf) = vpow2.f32 v3  }
0x5b: {  	v21 =	vadd.f32 v21, v31;
	v20 =	vsub.f32 v14, v26;
	v16 =	vld [tilespmem:s9+$0x1E20];
	v24 =	vpop (erf);
	(erf) = vpow2.f32 v11  }
0x5c: {  	v22 =	vld [tilespmem:s9+$0x2820];
	v11 =	vmax.f32 v13, $0.0e+00;
	v13 =	vmax.f32 v19, $0.0e+00;
	v2 =	vpop (erf);
	v15 =	vmul.f32 v24, v15  }
0x5d: {  	v3 =	vld [tilespmem:s9+$0x2D30];
	[tilespmem:s8+$0xA00] =	vst v20;
	v19 =	vmul.f32 $1.000000010e-01, v28;
	v11 =	vmul.f32 v11, v13;
	v2 =	vadd.f32 $1.000000000e+00, v2  }
0x5e: {  	v10 =	vsub.f32 v10, v12;
	v32 =	vmul.f32 $1.000000010e-01, v57;
	v28 =	vld [tilespmem:s9+$0x2800];
	v12 =	vmul.f32 v15, v0  }
0x5f: {  	v14 =	vadd.f32 v26, v14;
	v13 =	vld [tilespmem:s9+$0x2810];
	[tilespmem:s8+$0x1910] =	vst v11;
	v11 =	vmul.f32 v19, v30;
	(erf) = vrcp.f32 v2  }
0x60: {  	v2 =	vmul.f32 $1.000000010e-01, v17;
	v27 =	vadd.f32 v12, v9;
	v31 =	vsub.f32 v9, v12  }
0x61: {  	v25 =	vmul.f32 $1.000000010e-01, v25;
	v11 =	vadd.f32 v11, v18;
	v18 =	vadd.f32 $1.000000000e+00, v35  }
0x62: {  	v19 =	vpop (erf);
	v9 =	vadd.f32 v29, v7;
	v16 =	vmul.f32 $1.000000010e-01, v16;
	v7 =	vsub.f32 v7, v29  }
0x63: {  	vm3 =	vmmov vm0;
	v23 =	vld [tilespmem:s9+$0x2830];
	[tilespmem:s8+$0x1400] =	vst v14;
	v19 =	vmul.f32 v19, v30;
	v28 =	vmul.f32 $2.000000030e-01, v28;
	v24 =	vpop (erf)  }
0x64: {  	v15 =	vld [tilespmem:s9+$0x2D00];
	v16 =	vmul.f32 v16, v8;
	v13 =	vmul.f32 $2.000000030e-01, v13;
	v61 =	vsub.f32 v9, v7;
	v17 =	vpop (erf)  }
0x65: {  	v26 =	vld [tilespmem:s9+$0x2D10];
	v19 =	vmul.f32 v19, v0;
	(erf) = vrcp.f32 v18;
	vm2 =	vge.f32 v24, $5.000000000e-01;
	v18 =	vpop (erf)  }
0x66: {  	v59 =	vld [tilespmem:s9+$0x3230];
	v5 =	vmul.f32 v18, v5;
	v18 =	vmax.f32 v10, $0.0e+00;
	v10 =	vmul.f32 $1.000000010e-01, v34  }
0x67: {  	v62 =	vmax.f32 v61, $0.0e+00;
	v58 =	vadd.f32 v19, v11;
	v17 =	vadd.f32 $1.000000000e+00, v17  }
0x68: {  	s3 =	sadd.s32 $0x10, s2;
	v34 =	vmul.f32 v10, v6;
	v10 =	vsub.f32 v14, v20;
	v14 =	vmul.f32 $2.000000030e-01, v22  }
0x69: {  	p0 =	slt.u32 s3, $0x4E20;
	v30 =	vld [tilespmem:s9+$0x3210];
	[tilespmem:s8+$0xF30] =	vst v27;
	v23 =	vmul.f32 $2.000000030e-01, v23;
	v11 =	vsub.f32 v11, v19;
	v15 =	vmul.f32 $2.000000030e-01, v15  }
0x6a: {  	vm1 =	vmmov @p0 vm2;
	[tilespmem:s8+$0x1420] =	vst v58;
	v5 =	vmul.f32 v5, v0;
	v14 =	vmul.f32 $1.442695020e+00, v14  }
0x6b: {  	v26 =	vmul.f32 $2.000000030e-01, v26;
	v29 =	vsub.f32 $0.0e+00, v59;
	v23 =	vmul.f32 $1.442695020e+00, v23;
	v12 =	vld [tilespmem:s9+$0x3220]  }
0x6c: {  	v33 =	vsub.f32 v58, v11;
	v20 =	vld [tilespmem:s9+$0x2D20];
	[tilespmem:s8+$0xF00] =	vst v9;
	v60 =	vsub.f32 v21, v5;
	(erf) = vpow2.f32 v14  }
0x6d: {  	v22 =	vmul.f32 v32, v4;
	v9 =	vmul.f32 $1.442695020e+00, v13;
	v5 =	vadd.f32 v5, v21;
	v21 =	vld [tilespmem:s9+$0x3200];
	[tilespmem:s8+$0x500] =	vst v7  }
0x6e: {  	v13 =	vsub.f32 $0.0e+00, v30;
	v26 =	vmul.f32 $1.442695020e+00, v26;
	v29 =	vmul.f32 $1.442695020e+00, v29;
	[tilespmem:s8+$0xA30] =	vst v60  }
0x6f: {  	v36 =	vmax.f32 v10, $0.0e+00;
	v14 =	vmul.f32 $1.442695020e+00, v28;
	[tilespmem:s8+$0x1430] =	vst v5;
	v28 =	vpop (erf);
	(erf) = vrcp.f32 v17  }
0x70: {  	v13 =	vmul.f32 $1.442695020e+00, v13;
	v5 =	vsub.f32 v5, v60;
	v19 =	vpop (erf);
	v17 =	vld [tilespmem:s9+$0x3720];
	[tilespmem:s8+$0xA20] =	vst v11;
	v12 =	vsub.f32 $0.0e+00, v12  }
0x71: {  	s4 =	sadd.s32 $0x20, s2;
	vm2 =	vge.f32 v19, $5.000000000e-01;
	v30 =	vld [tilespmem:s9+$0x3C10];
	(erf) = vpow2.f32 v14;
	v14 =	vmul.f32 $1.442695020e+00, v15  }
0x72: {  	p0 =	slt.u32 s4, $0x4E20;
	v32 =	vmax.f32 v5, $0.0e+00;
	v5 =	vmul.f32 $2.000000030e-01, v20;
	(erf) = vpow2.f32 v26  }
0x73: {  	s5 =	sadd.s32 $0x30, s2;
	v7 =	vld [tilespmem:s9+$0x4130];
	[tilespmem:s8+$0x530] =	vst v31;
	v10 =	vsub.f32 $0.0e+00, v21;
	vm3 =	vmmov @p0 vm2;
	vm2 =	vge.f32 v28, $5.000000000e-01  }
0x74: {  	v21 =	vld [tilespmem:s9+$0x2300];
	p0 =	slt.u32 s5, $0x4E20;
	(erf) = vpow2.f32 v9;
	v9 =	vnsel vm3, $0x0, v19;
	vm3 =	vmmov vm0  }
0x75: {  	v12 =	vmul.f32 $1.442695020e+00, v12;
	v10 =	vmul.f32 $1.442695020e+00, v10;
	vm3 =	vmmov @p0 vm2;
	v15 =	vpop (erf)  }
0x76: {  	v26 =	vld [tilespmem:s9+$0x1E10];
	v19 =	vadd.f32 v34, v30;
	(erf) = vpow2.f32 v14;
	v8 =	vmul.f32 v15, v8  }
0x77: {  	v20 =	vld [tilespmem:s9+$0x3730];
	[tilespmem:s8+$0x20] =	vst v9;
	v30 =	vmul.f32 $1.442695020e+00, v5;
	(erf) = vpow2.f32 v12;
	v15 =	vadd.f32 v16, v17  }
0x78: {  	v11 =	vld [tilespmem:s9+$0x4600];
	v17 =	vmul.f32 v8, v0;
	v8 =	vnsel vm3, $0x0, v28;
	v28 =	vpop (erf);
	(erf) = vpow2.f32 v13  }
0x79: {  	vm2 =	vmmov vm0;
	v9 =	vld [tilespmem:s9+$0x4110];
	v21 =	vmul.f32 $1.000000010e-01, v21;
	v13 =	vmul.f32 v25, v7  }
0x7a: {  	v16 =	vld [tilespmem:s9+$0x3700];
	v25 =	vsub.f32 v27, v31;
	[tilespmem:s8+$0x30] =	vst v8;
	v8 =	vnsel vm1, $0x0, v24;
	vm1 =	vge.f32 v28, $5.000000000e-01  }
0x7b: {  	v5 =	vpop (erf);
	(erf) = vpow2.f32 v23;
	v23 =	vmul.f32 $1.000000010e-01, v26;
	v63 =	vld [tilespmem:s9+$0x2320];
	[tilespmem:s8+$0x10] =	vst v8;
	v8 =	vmax.f32 v33, $0.0e+00  }
0x7c: {  	v5 =	vmul.f32 v5, v4;
	v24 =	vpop (erf);
	v4 =	vadd.f32 v13, v20;
	v20 =	vmul.f32 v8, v18  }
0x7d: {  	v12 =	vsub.f32 v15, v17;
	(erf) = vpow2.f32 v29;
	v6 =	vmul.f32 v24, v6  }
0x7e: {  	p0 =	slt.u32 s2, $0x4E20;
	v25 =	vmax.f32 v25, $0.0e+00;
	v14 =	vld [tilespmem:s9+$0x4620];
	v24 =	vpop (erf);
	v18 =	vmul.f32 v21, v11;
	(erf) = vpow2.f32 v30  }
0x7f: {  	s15 =	simm.s32 $0x4;
	s14 =	sadd.s32 $0x40, s2;
	vm2 =	vmmov @p0 vm1;
	v8 =	vld [tilespmem:s9+$0x3710];
	v25 =	vmul.f32 v32, v25;
	[tilespmem:s9+$0x520] =	vst v12;
	v27 =	vmul.f32 v6, v0;
	v21 =	vpop (erf)  }
0x80: {  	s16 =	simm.s32 $0x200;
	s6 =	sadd.s32 $0x5A00, s6;
	s13 =	sadd.s32 $0x10, s14;
	v13 =	vld [tilespmem:s9+$0x3C30];
	v30 =	vnsel vm2, $0x0, v28;
	v26 =	vmul.f32 v24, v9;
	v24 =	vmul.f32 v36, v62;
	[tilespmem:s8+$0x1920] =	vst v20;
	v20 =	vpop (erf)  }
0x81: {  	s12 =	sadd.s32 $0x20, s14;
	s11 =	sadd.s32 $0x30, s14;
	s10 =	smov.u32 s14;
	v6 =	vadd.f32 v22, v16;
	v22 =	vld [tilespmem:s9+$0x3C00];
	[tilespmem:s8+$0x0] =	vst v30;
	v16 =	vsub.f32 v19, v27;
	v28 =	vmul.f32 $1.000000010e-01, v63;
	v29 =	vpop (erf)  }
.LBB2_1:
0x82: {  	v23 =	vmul.f32 v23, v9  }
0x83: {  	v30 =	vadd.f32 v27, v19;
	v15 =	vadd.f32 v17, v15;
	v3 =	vmul.f32 $2.000000030e-01, v3  }
0x84: {  	s20 =	sshra.s32 s16, $0x2;
	s15 =	sadd.s32 $0x4, s15;
	v27 =	vld [tilespmem:s9+$0x3C20];
	s14 =	sadd.s32 $0x40, s14;
	[tilespmem:s8+$0x1900] =	vst v24;
	v24 =	vadd.f32 $1.000000000e+00, v29;
	v11 =	vmul.f32 v21, v11;
	v5 =	vmul.f32 v5, v0  }
0x85: {  	vm1 =	vmmov vm0;
	s19 =	sadd.s32 $0x10, s14;
	s18 =	sadd.s32 $0x20, s14;
	v17 =	vld [tilespmem:s20+$0x4630];
	p0 =	slt.u32 s15, $0x4C;
	v28 =	vmul.f32 v28, v14;
	v29 =	vpop (erf);
	[tilespmem:s8+$0x1930] =	vst v25;
	v25 =	vmul.f32 v26, v0  }
0x86: {  	s17 =	sadd.s32 $0x30, s14;
	s8 =	smov.u32 s9;
	v9 =	vld [tilespmem:s20+$0x4100];
	v23 =	vadd.f32 v23, v8;
	[tilespmem:s9+$0x1410] =	vst v30;
	v7 =	vmul.f32 v29, v7;
	s9 =	smov.u32 s20;
	v3 =	vmul.f32 $1.442695020e+00, v3  }
0x87: {  	v12 =	vsub.f32 v15, v12;
	v8 =	vld [tilespmem:s9+$0x4610];
	[tilespmem:s8+$0xA10] =	vst v16;
	v16 =	vsub.f32 v30, v16;
	(erf) = vrcp.f32 v24;
	v19 =	vpop (erf)  }
0x88: {  	v11 =	vmul.f32 v11, v0;
	v24 =	vld [tilespmem:s9+$0x2330];
	v21 =	vsub.f32 v23, v25;
	[tilespmem:s8+$0xF20] =	vst v15;
	(erf) = vpow2.f32 v10  }
0x89: {  	v23 =	vadd.f32 v25, v23;
	v19 =	vadd.f32 $1.000000000e+00, v19;
	v10 =	vld [tilespmem:s9+$0x4120];
	(erf) = vpow2.f32 v3  }
0x8a: {  	v7 =	vmul.f32 v7, v0;
	v18 =	vadd.f32 v18, v22;
	v25 =	vadd.f32 v28, v27;
	v3 =	vld [tilespmem:s9+$0x1E00];
	v15 =	vpop (erf)  }
0x8b: {  	v22 =	vmul.f32 v2, v1;
	v16 =	vmax.f32 v16, $0.0e+00;
	v26 =	vld [tilespmem:s9+$0x2310];
	[tilespmem:s8+$0x510] =	vst v21;
	(erf) = vrcp.f32 v19  }
0x8c: {  	v27 =	vsub.f32 v18, v11;
	v21 =	vsub.f32 v23, v21;
	v15 =	vmul.f32 v15, v14;
	v19 =	vld [tilespmem:s9+$0x1E30];
	[tilespmem:s8+$0xF10] =	vst v23  }
0x8d: {  	vm3 =	vmmov vm0;
	v22 =	vadd.f32 v22, v13;
	v14 =	vadd.f32 $1.000000000e+00, v20;
	v23 =	vld [tilespmem:s9+$0x1E20]  }
0x8e: {  	v2 =	vmul.f32 $1.000000010e-01, v24;
	v21 =	vmax.f32 v21, $0.0e+00;
	v15 =	vmul.f32 v15, v0;
	v20 =	vld [tilespmem:s9+$0x2820]  }
0x8f: {  	v13 =	vmax.f32 v12, $0.0e+00;
	v16 =	vmul.f32 v16, v21;
	v24 =	vmul.f32 $1.000000010e-01, v3;
	v3 =	vld [tilespmem:s9+$0x2D30];
	[tilespmem:s8+$0xA00] =	vst v27  }
0x90: {  	v11 =	vadd.f32 v11, v18;
	v12 =	vmul.f32 $1.000000010e-01, v26;
	v21 =	vld [tilespmem:s9+$0x2810];
	v18 =	vpop (erf);
	(erf) = vrcp.f32 v14  }
0x91: {  	v32 =	vadd.f32 v15, v25;
	v14 =	vsub.f32 v4, v7;
	v26 =	vld [tilespmem:s9+$0x2800];
	vm2 =	vge.f32 v18, $5.000000000e-01;
	[tilespmem:s8+$0x1910] =	vst v16;
	v28 =	vpop (erf)  }
0x92: {  	p1 =	slt.u32 s13, $0x4E20;
	s13 =	smov.u32 s19;
	v16 =	vmul.f32 v24, v9;
	v12 =	vmul.f32 v12, v8;
	v29 =	vld [tilespmem:s9+$0x2830];
	[tilespmem:s8+$0x1400] =	vst v11;
	v11 =	vsub.f32 v11, v27;
	v27 =	vpop (erf)  }
0x93: {  	v23 =	vmul.f32 $1.000000010e-01, v23;
	vm1 =	vmmov @p1 vm2;
	v30 =	vld [tilespmem:s9+$0x2D00];
	v31 =	vmul.f32 $2.000000030e-01, v20  }
0x94: {  	v33 =	vmul.f32 $1.000000010e-01, v19;
	v27 =	vmul.f32 v27, v1;
	v20 =	vadd.f32 v7, v4;
	v24 =	vld [tilespmem:s9+$0x2D10];
	v4 =	vpop (erf)  }
0x95: {  	v19 =	vadd.f32 v5, v6;
	v1 =	vmovc v17;
	v23 =	vmul.f32 v23, v10;
	v7 =	vld [tilespmem:s9+$0x3210];
	v31 =	vmul.f32 $1.442695020e+00, v31  }
0x96: {  	v28 =	vadd.f32 $1.000000000e+00, v28;
	v27 =	vmul.f32 v27, v0;
	v17 =	vmul.f32 $2.000000030e-01, v26;
	v26 =	vld [tilespmem:s9+$0x3230];
	[tilespmem:s8+$0xF30] =	vst v20  }
0x97: {  	v5 =	vsub.f32 v6, v5;
	v18 =	vnsel vm1, $0x0, v18;
	(erf) = vpow2.f32 v31;
	[tilespmem:s8+$0x1420] =	vst v32  }
0x98: {  	v34 =	vadd.f32 v27, v22;
	v17 =	vmul.f32 $1.442695020e+00, v17;
	v30 =	vmul.f32 $2.000000030e-01, v30;
	v31 =	vld [tilespmem:s9+$0x3220]  }
0x99: {  	v21 =	vmul.f32 $2.000000030e-01, v21;
	v29 =	vmul.f32 $2.000000030e-01, v29;
	v6 =	vsub.f32 v22, v27;
	v35 =	vld [tilespmem:s9+$0x2D20];
	v22 =	vpop (erf)  }
0x9a: {  	v24 =	vmul.f32 $2.000000030e-01, v24;
	[tilespmem:s8+$0xF00] =	vst v19;
	vm2 =	vge.f32 v22, $5.000000000e-01;
	(erf) = vrcp.f32 v28  }
0x9b: {  	v28 =	vsub.f32 v19, v5;
	v19 =	vmul.f32 $1.442695020e+00, v21;
	v27 =	vld [tilespmem:s9+$0x3200];
	v26 =	vsub.f32 $0.0e+00, v26;
	[tilespmem:s8+$0xA30] =	vst v6  }
0x9c: {  	v7 =	vsub.f32 $0.0e+00, v7;
	v6 =	vsub.f32 v34, v6;
	[tilespmem:s8+$0x1430] =	vst v34;
	v34 =	vmul.f32 $1.442695020e+00, v24  }
0x9d: {  	v24 =	vmul.f32 $1.442695020e+00, v29;
	[tilespmem:s8+$0x500] =	vst v5;
	v5 =	vsub.f32 v25, v15;
	v15 =	vsub.f32 $0.0e+00, v31  }
0x9e: {  	v25 =	vmax.f32 v6, $0.0e+00;
	v6 =	vmul.f32 $1.442695020e+00, v30;
	(erf) = vpow2.f32 v17  }
0x9f: {  	v30 =	vmax.f32 v11, $0.0e+00;
	v31 =	vmul.f32 $1.442695020e+00, v7;
	v29 =	vmul.f32 $2.000000030e-01, v35;
	v17 =	vld [tilespmem:s9+$0x3720];
	[tilespmem:s8+$0xA20] =	vst v5  }
0xa0: {  	v26 =	vmul.f32 $1.442695020e+00, v26;
	v11 =	vsub.f32 $0.0e+00, v27;
	v27 =	vld [tilespmem:s9+$0x3C10];
	(erf) = vpow2.f32 v34;
	v21 =	vpop (erf)  }
0xa1: {  	p1 =	slt.u32 s12, $0x4E20;
	s12 =	smov.u32 s18;
	v15 =	vmul.f32 $1.442695020e+00, v15;
	v32 =	vsub.f32 v32, v5;
	(erf) = vpow2.f32 v19  }
0xa2: {  	vm3 =	vmmov @p1 vm2;
	v5 =	vmul.f32 v21, v10;
	v7 =	vld [tilespmem:s9+$0x4130];
	(erf) = vpow2.f32 v6;
	[tilespmem:s8+$0x530] =	vst v14  }
0xa3: {  	vm2 =	vge.f32 v4, $5.000000000e-01;
	v10 =	vmul.f32 $1.442695020e+00, v11;
	(erf) = vpow2.f32 v15;
	v6 =	vpop (erf)  }
0xa4: {  	p1 =	slt.u32 s11, $0x4E20;
	s11 =	smov.u32 s17;
	v11 =	vnsel vm3, $0x0, v22;
	vm3 =	vmmov vm0;
	v15 =	vadd.f32 v23, v17;
	v21 =	vld [tilespmem:s9+$0x3730]  }
0xa5: {  	vm3 =	vmmov @p1 vm2;
	v17 =	vmul.f32 v5, v0;
	v22 =	vld [tilespmem:s9+$0x2300];
	v19 =	vadd.f32 v12, v27  }
0xa6: {  	v28 =	vmax.f32 v28, $0.0e+00;
	v29 =	vmul.f32 $1.442695020e+00, v29;
	v23 =	vld [tilespmem:s9+$0x1E10];
	(erf) = vpow2.f32 v31;
	[tilespmem:s8+$0x20] =	vst v11  }
0xa7: {  	vm2 =	vge.f32 v6, $5.000000000e-01;
	v12 =	vsub.f32 v15, v17;
	v11 =	vld [tilespmem:s9+$0x4600];
	v27 =	vmul.f32 v33, v7;
	v5 =	vpop (erf)  }
0xa8: {  	v33 =	vnsel vm3, $0x0, v4;
	v5 =	vmul.f32 v5, v9;
	v9 =	vld [tilespmem:s9+$0x4110];
	(erf) = vpow2.f32 v24  }
0xa9: {  	vm1 =	vmmov vm0;
	v31 =	vld [tilespmem:s9+$0x3700];
	v4 =	vadd.f32 v27, v21;
	v21 =	vpop (erf);
	v27 =	vmax.f32 v32, $0.0e+00;
	[tilespmem:s8+$0x30] =	vst v33  }
0xaa: {  	p1 =	slt.u32 s10, $0x4E20;
	s10 =	smov.u32 s14;
	v22 =	vmul.f32 $1.000000010e-01, v22;
	v32 =	vld [tilespmem:s9+$0x2320];
	v24 =	vpop (erf);
	(erf) = vpow2.f32 v26;
	[tilespmem:s8+$0x10] =	vst v18;
	v26 =	vsub.f32 v20, v14  }
.Ltmp0:
0xab: {  	vm1 =	vmmov @p1 vm2;
	v33 =	vmul.f32 v21, v8;
	v23 =	vmul.f32 $1.000000010e-01, v23;
	[tilespmem:s9+$0x520] =	vst v12;
	v21 =	vpop (erf);
	(pc) =	sbr.rel @p0 .LBB2_1-.Ltmp0, $4  }
0xac: {  	v18 =	vmul.f32 v22, v11;
	v14 =	vld [tilespmem:s9+$0x4620];
	v20 =	vpop (erf);
	v22 =	vmul.f32 v27, v13;
	v34 =	vmax.f32 v26, $0.0e+00  }
0xad: {  	v27 =	vmul.f32 v33, v0;
	v33 =	vnsel vm1, $0x0, v6;
	v8 =	vld [tilespmem:s9+$0x3710];
	(erf) = vpow2.f32 v29  }
0xae: {  	v26 =	vmul.f32 v24, v9;
	v24 =	vmul.f32 v30, v28;
	v6 =	vadd.f32 v16, v31;
	v13 =	vld [tilespmem:s9+$0x3C30];
	[tilespmem:s8+$0x1920] =	vst v22  }
0xaf: {  	s16 =	sadd.s32 $0x100, s16;
	v25 =	vmul.f32 v25, v34;
	v16 =	vsub.f32 v19, v27;
	v22 =	vld [tilespmem:s9+$0x3C00];
	v28 =	vmul.f32 $1.000000010e-01, v32;
	v29 =	vpop (erf);
	[tilespmem:s8+$0x0] =	vst v33  }
0xb0: {  	v3 =	vmul.f32 $2.000000030e-01, v3  }
0xb1: {  	v29 =	vadd.f32 $1.000000000e+00, v29;
	v9 =	vmul.f32 v23, v9;
	v61 =	vmul.f32 v26, v0  }
0xb2: {  	v15 =	vadd.f32 v17, v15;
	v11 =	vmul.f32 v21, v11;
	v30 =	vadd.f32 $1.000000000e+00, v20  }
0xb3: {  	v2 =	vmul.f32 v2, v1;
	vm1 =	vmmov vm0;
	vm3 =	vmmov vm0  }
0xb4: {  	vm4 =	vmmov vm0;
	v48 =	vimm.s32 $0xFEDCBA98;
	v51 =	vimm.s32 $0xBA98FEDC  }
0xb5: {  	v52 =	vimm.s32 $0x32107654;
	v53 =	vimm.s32 $0xDCFE98BA;
	v56 =	vimm.s32 $0x54761032  }
0xb6: {  	v57 =	vimm.s32 $0xEFCDAB89;
	v3 =	vmul.f32 $1.442695020e+00, v3;
	(erf) = vrcp.f32 v29  }
0xb7: {  	v58 =	vimm.s32 $0x67452301;
	vm5 =	vcmask $0x1714;
	(erf) = vpow2.f32 v10  }
0xb8: {  	vm6 =	vcmask $0x1B18;
	v63 =	vmul.f32 v28, v14;
	(erf) = vpow2.f32 v3  }
0xb9: {  	v60 =	vpop (erf);
	v49 =	vunpack.c.l.s4.s8 v48;
	v54 =	vunpack.c.l.s4.s8 v52;
	v55 =	vunpack.c.l.s4.s8 v53  }
0xba: {  	v59 =	vld [tilespmem:s9+$0x3C20];
	v8 =	vadd.f32 v9, v8;
	v7 =	vmul.f32 v60, v7;
	v12 =	vsub.f32 v15, v12  }
0xbb: {  	v11 =	vmul.f32 v11, v0;
	v62 =	vpop (erf);
	v2 =	vadd.f32 v2, v13;
	v3 =	vadd.f32 v27, v19  }
0xbc: {  	v60 =	vunpack.c.l.s4.s8 v58;
	v29 =	vsub.f32 v8, v61;
	v23 =	vadd.f32 $1.000000000e+00, v62  }
0xbd: {  	v8 =	vadd.f32 v61, v8;
	v18 =	vadd.f32 v18, v22;
	v7 =	vmul.f32 v7, v0  }
0xbe: {  	v12 =	vmax.f32 v12, $0.0e+00;
	v61 =	vunpack.c.0.s8.s32 v55;
	v62 =	vunpack.c.0.s8.s32 v60;
	v31 =	vpop (erf)  }
0xbf: {  	[tilespmem:s8+$0x1900] =	vst v24;
	v10 =	vadd.f32 v63, v59;
	v59 =	vunpack.c.l.s4.s8 v57;
	(erf) = vrcp.f32 v23;
	v32 =	vpop (erf)  }
0xc0: {  	[tilespmem:s8+$0x1930] =	vst v25;
	v28 =	vsub.f32 v3, v16;
	v33 =	vsub.f32 v8, v29;
	(erf) = vrcp.f32 v30;
	v35 =	vpop (erf)  }
0xc1: {  	v36 =	vsub.f32 v18, v11;
	v11 =	vadd.f32 v11, v18;
	[tilespmem:s9+$0x1410] =	vst v3;
	v3 =	vmul.f32 v5, v0;
	v37 =	vpop (erf)  }
0xc2: {  	v5 =	vsub.f32 v4, v7;
	[tilespmem:s9+$0xF10] =	vst v8;
	v8 =	vunpack.c.0.s8.s32 v49;
	v1 =	vmul.f32 v37, v1  }
0xc3: {  	[tilespmem:s9+$0xA10] =	vst v16;
	v38 =	vmul.f32 v31, v14;
	v34 =	vmax.f32 v28, $0.0e+00;
	v39 =	vsub.f32 v11, v36  }
0xc4: {  	p0 =	slt.u32 s13, $0x4E20;
	[tilespmem:s9+$0xF20] =	vst v15;
	v9 =	vmax.f32 v33, $0.0e+00;
	vm2 =	vge.f32 v32, $5.000000000e-01;
	v1 =	vmul.f32 v1, v0  }
0xc5: {  	[tilespmem:s9+$0x510] =	vst v29;
	v9 =	vmul.f32 v34, v9;
	v13 =	vmax.f32 v39, $0.0e+00;
	vm1 =	vmmov @p0 vm2  }
0xc6: {  	[tilespmem:s9+$0xA00] =	vst v36;
	v22 =	vadd.f32 $1.000000000e+00, v35;
	v46 =	vnsel vm1, $0x0, v32;
	v40 =	vadd.f32 v1, v2  }
0xc7: {  	[tilespmem:s9+$0x1400] =	vst v11;
	v0 =	vmul.f32 v38, v0;
	v1 =	vsub.f32 v2, v1;
	v2 =	vadd.f32 v7, v4  }
0xc8: {  	[tilespmem:s9+$0x530] =	vst v5;
	vm1 =	vcmask $0x704;
	v4 =	vpop (erf);
	v7 =	vadd.f32 v3, v6;
	v3 =	vsub.f32 v6, v3  }
0xc9: {  	[tilespmem:s9+$0x1910] =	vst v9;
	(erf) = vrcp.f32 v22;
	v42 =	vadd.f32 v0, v10;
	v0 =	vsub.f32 v10, v0;
	v6 =	vpop (erf)  }
0xca: {  	v41 =	vsub.f32 v40, v1;
	vm2 =	vge.f32 v6, $5.000000000e-01;
	v43 =	vsub.f32 v7, v3;
	[tilespmem:s9+$0xF30] =	vst v2  }
0xcb: {  	p0 =	slt.u32 s12, $0x4E20;
	v44 =	vsub.f32 v42, v0;
	v2 =	vsub.f32 v2, v5;
	[tilespmem:s9+$0x500] =	vst v3;
	v3 =	vunpack.c.l.s4.s8 v51  }
0xcc: {  	[tilespmem:s9+$0xA20] =	vst v0;
	v0 =	vunpack.c.l.s4.s8 v56;
	v5 =	vunpack.c.0.s8.s32 v54;
	vm3 =	vmmov @p0 vm2  }
0xcd: {  	[tilespmem:s9+$0x10] =	vst v46;
	vm2 =	vge.f32 v4, $5.000000000e-01;
	p0 =	slt.u32 s11, $0x4E20;
	v14 =	vmax.f32 v41, $0.0e+00;
	v6 =	vnsel vm3, $0x0, v6  }
0xce: {  	[tilespmem:s9+$0x1420] =	vst v42;
	vm4 =	vmmov @p0 vm2;
	v10 =	vmax.f32 v43, $0.0e+00;
	v47 =	vmax.f32 v44, $0.0e+00  }
0xcf: {  	[tilespmem:s9+$0xA30] =	vst v1;
	v1 =	vmax.f32 v2, $0.0e+00;
	v2 =	vimm.s32 $0x76543210;
	v3 =	vunpack.c.0.s8.s32 v3  }
0xd0: {  	[tilespmem:s9+$0xF00] =	vst v7;
	v0 =	vunpack.c.0.s8.s32 v0;
	vm3 =	vcmask $0xF0C;
	v4 =	vnsel vm4, $0x0, v4  }
0xd1: {  	[tilespmem:s9+$0x1430] =	vst v40;
	v7 =	vmul.f32 v47, v12;
	v10 =	vmul.f32 v13, v10;
	v2 =	vunpack.c.l.s4.s8 v2  }
0xd2: {  	[tilespmem:s9+$0x20] =	vst v6;
	v6 =	vunpack.c.0.s8.s32 v59;
	v63 =	vmul.f32 v14, v1;
	vm4 =	vcmask $0x1310;
	v45 =	vpop (erf)  }
.Ltmp1:
0xd3: {  	s31 =	sshll.u32 s7, $0x6;
	[tilespmem:s9+$0x30] =	vst v4;
	v4 =	vcombine.low v0, v61;
	v0 =	vlaneseq.u32;
	vm2 =	vge.f32 v45, $5.000000000e-01;
	(pc) =	sbr.rel .LBB2_3-.Ltmp1, $4  }
0xd4: {  	s18 =	simm.s32 $0xFFFFFFFF;
	s13 =	simm.f32 $0.0e+00;
	p0 =	slt.u32 s10, $0x4E20;
	v1 =	vunpack.c.0.s8.s32 v2;
	v2 =	vcombine.low v5, v3;
	v3 =	vand.u32 $0xF, v8;
	[tilespmem:s9+$0x1920] =	vst v7  }
0xd5: {  	s14 =	simm.f32 $0.0e+00;
	s15 =	simm.f32 $0.0e+00;
	s16 =	simm.f32 $0.0e+00;
	v5 =	vcombine.low v62, v6;
	[tilespmem:s9+$0x1900] =	vst v10;
	vm0 =	vmmov @p0 vm2;
	vm2 =	vcmask $0xB08  }
0xd6: {  	s17 =	simm.f32 $0.0e+00;
	s8 =	simm.s32 $0x0;
	s12 =	simm.s32 $0x1;
	[tilespmem:s9+$0x1930] =	vst v63;
	v50 =	vnsel vm0, $0x0, v45;
	v1 =	vcombine.low v3, v1;
	v2 =	vand.u32 $0xF, v2  }
0xd7: {  	s11 =	simm.s32 $0x4C00;
	s10 =	sshrl.u32 s31, $0x2;
	p0 =	sne.s32 s7, $0x0;
	v3 =	vand.u32 $0xF, v4;
	v4 =	vand.u32 $0xF, v5;
	vm0 =	vmmov $0x1;
	[tilespmem:s9+$0x0] =	vst v50  }
.LBB2_8:
0xd8: {  	v6 =	vbroadcast v5, $0x2;
	v7 =	vbroadcast v5, $0x3;
	_ =	sdelay $0x1  }
0xd9: {  	v8 =	vbroadcast v5, $0x4;
	v6 =	vnsel vm0, $0x0, v6;
	v7 =	vnsel vm1, $0x0, v7  }
0xda: {  	v6 =	vadd.f32 v7, v6  }
0xdb: {  	v5 =	vbroadcast v5, $0x5;
	v7 =	vnsel vm2, $0x0, v8  }
0xdc: {  	v6 =	vadd.f32 v6, v7  }
0xdd: {  	v5 =	vnsel vm3, $0x0, v5  }
0xde: {  	v5 =	vadd.f32 v6, v5;
	v6 =	vmov s9  }
0xdf: {  	v6 =	vnsel vm4, $0x0, v6  }
0xe0: {  	p1 =	sgt.f32 s9, $0.0e+00;
	v5 =	vadd.f32 v5, v6  }
0xe1: {  	s31 =	sshll.u32 s8, $0x4;
	s8 =	sadd.s32 $0x1, s8  }
0xe2: {  	v5 =	vpsel !p1, $0x0, v5;
	p1 =	seq.s32 s8, $0x64  }
.Ltmp2:
0xe3: {  	_ = 	snop;
	(pc) =	sbr.rel @p1 .LBB2_11-.Ltmp2, $3  }
0xe4: {  	_ =	sdelay $0x1  }
0xe5: {  	s9 =	sand.u32 $0x3FFFFFF0, s31  }
0xe6: {  	[tilespmem:s9+$0x4C80] =	vst v5  }
.LBB2_9:
0xe7: {  	s18 =	scvt.f32.s32 s7  }
.LBB2_3:
0xe8: {  	s9 =	simm.s32 $0x0  }
0xe9: {  	v10 =	vld [tilespmem:s9+$0x1930]  }
0xea: {  	v12 =	vld [tilespmem:s9+$0x1920]  }
0xeb: {  	v13 =	vld [tilespmem:s9+$0x1910]  }
0xec: {  	v14 =	vld [tilespmem:s9+$0x530]  }
0xed: {  	v15 =	vld [tilespmem:s9+$0xA30]  }
0xee: {  	v16 =	vld [tilespmem:s9+$0xF30]  }
0xef: {  	v17 =	vld [tilespmem:s9+$0x1430]  }
0xf0: {  	v18 =	vld [tilespmem:s9+$0x1900]  }
0xf1: {  	v19 =	vld [tilespmem:s9+$0x520]  }
0xf2: {  	v20 =	vld [tilespmem:s9+$0xA20]  }
0xf3: {  	v21 =	vld [tilespmem:s9+$0xF20]  }
0xf4: {  	v22 =	vld [tilespmem:s9+$0x1420]  }
0xf5: {  	v23 =	vld [tilespmem:s9+$0x510]  }
0xf6: {  	v24 =	vld [tilespmem:s9+$0xA10]  }
0xf7: {  	v6 =	vmov s17;
	v25 =	vld [tilespmem:s9+$0x500]  }
0xf8: {  	v7 =	vmov s16;
	v8 =	vmov s15;
	v9 =	vmov s13;
	v26 =	vld [tilespmem:s9+$0xA00]  }
0xf9: {  	v11 =	vmov s14;
	v5 =	vmov s18;
	v27 =	vadd.f32 v12, v9;
	v12 =	vld [tilespmem:s9+$0xF00]  }
0xfa: {  	v28 =	vadd.f32 v10, v9;
	v10 =	vadd.f32 v13, v9;
	v13 =	vmax.f32 v6, v14;
	v14 =	vld [tilespmem:s9+$0x1400]  }
0xfb: {  	v29 =	vld [tilespmem:s9+$0xF10];
	v15 =	vmax.f32 v7, v15;
	v18 =	vadd.f32 v18, v9;
	v16 =	vmin.f32 v8, v16  }
0xfc: {  	s7 =	simm.s32 $0x40;
	v30 =	vld [tilespmem:s9+$0x1410];
	v17 =	vmin.f32 v11, v17;
	v19 =	vmax.f32 v6, v19;
	v20 =	vmax.f32 v7, v20  }
0xfd: {  	v31 =	vld [tilespmem:s7+$0x1930];
	v21 =	vmin.f32 v8, v21;
	v23 =	vmax.f32 v6, v23;
	v24 =	vmax.f32 v7, v24  }
0xfe: {  	v32 =	vld [tilespmem:s7+$0x1920];
	v22 =	vmin.f32 v11, v22;
	v25 =	vmax.f32 v6, v25;
	v26 =	vmax.f32 v7, v26  }
0xff: {  	v33 =	vld [tilespmem:s7+$0x530];
	v13 =	vsub.f32 v16, v13;
	v12 =	vmin.f32 v8, v12;
	v14 =	vmin.f32 v11, v14  }
0x100: {  	v35 =	vld [tilespmem:s7+$0x1420];
	v29 =	vmin.f32 v8, v29;
	v12 =	vsub.f32 v12, v25;
	v14 =	vsub.f32 v14, v26  }
0x101: {  	v36 =	vld [tilespmem:s7+$0x510];
	v19 =	vsub.f32 v21, v19;
	v23 =	vsub.f32 v29, v23;
	v25 =	vmin.f32 v11, v30  }
0x102: {  	v38 =	vld [tilespmem:s7+$0xF10];
	v24 =	vsub.f32 v25, v24;
	v12 =	vmax.f32 v12, $0.0e+00;
	v14 =	vmax.f32 v14, $0.0e+00  }
0x103: {  	v59 =	vld [tilespmem:s7+$0x1400];
	v19 =	vmax.f32 v19, $0.0e+00;
	v29 =	vmul.f32 v14, v12;
	v12 =	vsub.f32 v22, v20  }
0x104: {  	v39 =	vld [tilespmem:s7+$0x1410];
	v14 =	vsub.f32 v17, v15;
	v15 =	vmax.f32 v23, $0.0e+00;
	v17 =	vmax.f32 v24, $0.0e+00  }
0x105: {  	v26 =	vld [tilespmem:s7+$0xF30];
	v30 =	vmul.f32 v17, v15;
	v18 =	vsub.f32 v18, v29;
	v12 =	vmax.f32 v12, $0.0e+00  }
0x106: {  	v40 =	vld [tilespmem:s7+$0x500];
	v34 =	vmul.f32 v12, v19;
	v12 =	vmax.f32 v13, $0.0e+00;
	v13 =	vmax.f32 v14, $0.0e+00  }
0x107: {  	v25 =	vld [tilespmem:s7+$0x1430];
	v15 =	vsub.f32 v10, v30;
	v14 =	vadd.f32 $9.999999710e-10, v18;
	v37 =	vmul.f32 v13, v12  }
0x108: {  	v42 =	vmax.f32 v6, v33;
	v33 =	vmin.f32 v11, v59;
	v22 =	vld [tilespmem:s7+$0x520];
	v13 =	vsub.f32 v27, v34  }
0x109: {  	v23 =	vld [tilespmem:s7+$0xA20];
	v15 =	vadd.f32 $9.999999710e-10, v15;
	v17 =	vsub.f32 v28, v37;
	(erf) = vrcp.f32 v14  }
0x10a: {  	v24 =	vld [tilespmem:s7+$0xF20];
	v43 =	vmin.f32 v8, v26;
	v10 =	vimm.s32 $0x51;
	v13 =	vadd.f32 $9.999999710e-10, v13  }
0x10b: {  	v16 =	vld [tilespmem:s7+$0x1910];
	v19 =	vor.u32 s4, v0;
	(erf) = vrcp.f32 v15;
	v17 =	vadd.f32 $9.999999710e-10, v17  }
0x10c: {  	v21 =	vld [tilespmem:s7+$0xA30];
	v12 =	vimm.f32 $-2.000000000e+00;
	v18 =	vor.u32 s5, v0;
	(erf) = vrcp.f32 v13  }
0x10d: {  	v20 =	vld [tilespmem:s7+$0x1900];
	vm8 =	veq.s32 v19, v5;
	vm7 =	veq.s32 v18, v5;
	(erf) = vrcp.f32 v17  }
0x10e: {  	v18 =	vmin.f32 v11, v25;
	v26 =	vmax.f32 v6, v22;
	v19 =	vmax.f32 v7, v23;
	v28 =	vld [tilespmem:s7+$0xA10]  }
0x10f: {  	v27 =	vmin.f32 v8, v24;
	v23 =	vmax.f32 v6, v36;
	v13 =	vadd.f32 v31, v9;
	v31 =	vld [tilespmem:s7+$0xF00]  }
0x110: {  	v41 =	vld [tilespmem:s7+$0xA00];
	v25 =	vmin.f32 v8, v38;
	v24 =	vmin.f32 v11, v39;
	v14 =	vor.u32 s2, v0  }
0x111: {  	vm10 =	veq.s32 v14, v5;
	v15 =	vor.u32 s3, v0;
	v14 =	vadd.f32 v32, v9  }
0x112: {  	v60 =	vld [tilespmem:s9+$0x0];
	vm9 =	veq.s32 v15, v5;
	v15 =	vadd.f32 v16, v9;
	v16 =	vadd.f32 v20, v9;
	v22 =	vpop (erf)  }
0x113: {  	v20 =	vmin.f32 v11, v35;
	v17 =	vmax.f32 v7, v21;
	v22 =	vmul.f32 v22, v29  }
0x114: {  	v32 =	vld [tilespmem:s9+$0x10];
	v21 =	vmax.f32 v7, v28;
	v28 =	vmax.f32 v6, v40;
	v31 =	vmin.f32 v8, v31;
	v61 =	vpop (erf)  }
0x115: {  	v29 =	vmax.f32 v7, v41;
	v62 =	vmul.f32 v61, v30;
	vm11 =	vgt.f32 v22, $3.000000120e-01;
	v30 =	vpop (erf)  }
0x116: {  	s13 =	simm.s32 $0x4;
	s16 =	simm.s32 $0x100;
	v22 =	vsub.f32 v43, v42;
	vm10 =	vmor vm10, vm11;
	v35 =	vmul.f32 v30, v34;
	v63 =	vpop (erf);
	v30 =	vld [tilespmem:s9+$0x20]  }
0x117: {  	s17 =	simm.s32 $0x8;
	s14 =	simm.s32 $0x0;
	s15 =	smov.u32 s2;
	vm11 =	vgt.f32 v62, $3.000000120e-01;
	v36 =	vsel vm10, $0xBF800000, v60;
	v34 =	vmul.f32 v63, v37  }
.LBB2_4:
0x118: {  	p1 =	slt.u32 s17, $0x4C;
	[tilespmem:s9+$0x0] =	vst v36;
	vm10 =	vgt.f32 v36, v12;
	vm9 =	vmor vm9, vm11;
	vm11 =	vgt.f32 v35, $3.000000120e-01;
	v35 =	vld [tilespmem:s9+$0x30]  }
0x119: {  	s16 =	sadd.s32 $0x100, s16;
	v12 =	vsel vm10, v36, v12;
	v10 =	vsel vm10, s14, v10;
	v32 =	vsel vm9, $0xBF800000, v32  }
0x11a: {  	s19 =	sadd.s32 $0x1, s14;
	s18 =	sshra.s32 s16, $0x2;
	vm8 =	vmor vm8, vm11;
	vm10 =	vgt.f32 v34, $3.000000120e-01;
	[tilespmem:s9+$0x10] =	vst v32;
	vm9 =	vgt.f32 v32, v12  }
0x11b: {  	v34 =	vld [tilespmem:s18+$0x1930];
	v12 =	vsel vm9, v32, v12;
	v10 =	vsel vm9, s19, v10;
	v30 =	vsel vm8, $0xBF800000, v30  }
0x11c: {  	v26 =	vsub.f32 v27, v26;
	vm7 =	vmor vm7, vm10;
	s19 =	sadd.s32 $0x2, s14;
	v32 =	vld [tilespmem:s18+$0x1920];
	[tilespmem:s9+$0x20] =	vst v30;
	vm8 =	vgt.f32 v30, v12  }
0x11d: {  	v27 =	vld [tilespmem:s18+$0x1910];
	v12 =	vsel vm8, v30, v12;
	v10 =	vsel vm8, s19, v10;
	v30 =	vsel vm7, $0xBF800000, v35  }
0x11e: {  	v28 =	vsub.f32 v31, v28;
	v29 =	vsub.f32 v33, v29;
	s14 =	sadd.s32 $0x3, s14;
	v35 =	vld [tilespmem:s18+$0x530];
	[tilespmem:s9+$0x30] =	vst v30;
	vm7 =	vgt.f32 v30, v12;
	s9 =	smov.u32 s7;
	s7 =	smov.u32 s18  }
0x11f: {  	v23 =	vsub.f32 v25, v23;
	v31 =	vld [tilespmem:s7+$0xA30];
	v12 =	vsel vm7, v30, v12;
	v10 =	vsel vm7, s14, v10;
	s14 =	smov.u32 s13;
	s13 =	smov.u32 s17  }
0x120: {  	v21 =	vsub.f32 v24, v21;
	v28 =	vmax.f32 v28, $0.0e+00;
	v29 =	vmax.f32 v29, $0.0e+00;
	v25 =	vld [tilespmem:s7+$0xF30]  }
0x121: {  	v19 =	vsub.f32 v20, v19;
	v17 =	vsub.f32 v18, v17;
	v28 =	vmul.f32 v29, v28;
	v24 =	vld [tilespmem:s7+$0x1430]  }
0x122: {  	v20 =	vmax.f32 v23, $0.0e+00;
	v21 =	vmax.f32 v21, $0.0e+00;
	v23 =	vmax.f32 v26, $0.0e+00;
	v18 =	vld [tilespmem:s7+$0x1900]  }
0x123: {  	v19 =	vmax.f32 v19, $0.0e+00;
	v16 =	vsub.f32 v16, v28;
	v30 =	vmul.f32 v21, v20;
	v26 =	vld [tilespmem:s7+$0x520]  }
0x124: {  	v17 =	vmax.f32 v17, $0.0e+00;
	v36 =	vmul.f32 v19, v23;
	v19 =	vmax.f32 v22, $0.0e+00;
	v20 =	vld [tilespmem:s7+$0xA20]  }
0x125: {  	v37 =	vmul.f32 v17, v19;
	v16 =	vadd.f32 $9.999999710e-10, v16;
	v15 =	vsub.f32 v15, v30;
	v21 =	vld [tilespmem:s7+$0xF20]  }
0x126: {  	s15 =	sadd.s32 $0x40, s15;
	v14 =	vsub.f32 v14, v36;
	v22 =	vld [tilespmem:s7+$0x1420]  }
0x127: {  	v13 =	vsub.f32 v13, v37;
	s18 =	sadd.s32 $0x30, s15;
	v15 =	vadd.f32 $9.999999710e-10, v15;
	v23 =	vld [tilespmem:s7+$0x510];
	(erf) = vrcp.f32 v16  }
0x128: {  	s19 =	sadd.s32 $0x20, s15;
	v14 =	vadd.f32 $9.999999710e-10, v14;
	v17 =	vor.u32 s18, v0;
	v16 =	vor.u32 s15, v0;
	v29 =	vld [tilespmem:s7+$0xA10]  }
0x129: {  	v19 =	vor.u32 s19, v0;
	s18 =	sadd.s32 $0x10, s15;
	v13 =	vadd.f32 $9.999999710e-10, v13;
	v33 =	vld [tilespmem:s7+$0xF10];
	(erf) = vrcp.f32 v15  }
0x12a: {  	vm10 =	veq.s32 v16, v5;
	v15 =	vor.u32 s18, v0;
	v38 =	vld [tilespmem:s7+$0x1410];
	(erf) = vrcp.f32 v14  }
0x12b: {  	vm8 =	veq.s32 v19, v5;
	vm7 =	veq.s32 v17, v5;
	v39 =	vld [tilespmem:s7+$0x500];
	(erf) = vrcp.f32 v13  }
0x12c: {  	v14 =	vadd.f32 v32, v9;
	vm9 =	veq.s32 v15, v5;
	v13 =	vadd.f32 v34, v9;
	v40 =	vld [tilespmem:s7+$0xA00]  }
0x12d: {  	v17 =	vmax.f32 v7, v31;
	v15 =	vadd.f32 v27, v9;
	v34 =	vmax.f32 v6, v35;
	v32 =	vld [tilespmem:s7+$0xF00]  }
0x12e: {  	v41 =	vmin.f32 v8, v25;
	v16 =	vadd.f32 v18, v9;
	v18 =	vmin.f32 v11, v24;
	v35 =	vld [tilespmem:s7+$0x1400]  }
0x12f: {  	v26 =	vmax.f32 v6, v26;
	v19 =	vmax.f32 v7, v20;
	v27 =	vmin.f32 v8, v21  }
0x130: {  	v20 =	vmin.f32 v11, v22;
	v23 =	vmax.f32 v6, v23;
	v21 =	vmax.f32 v7, v29;
	v42 =	vld [tilespmem:s9+$0x0];
	v22 =	vpop (erf)  }
.Ltmp3:
0x131: {  	v25 =	vmin.f32 v8, v33;
	v24 =	vmin.f32 v11, v38;
	v22 =	vmul.f32 v22, v28;
	(pc) =	sbr.rel @p1 .LBB2_4-.Ltmp3, $4  }
0x132: {  	v28 =	vmax.f32 v6, v39;
	v29 =	vmax.f32 v7, v40;
	v31 =	vmin.f32 v8, v32;
	v32 =	vld [tilespmem:s9+$0x10];
	v38 =	vpop (erf)  }
0x133: {  	v33 =	vmin.f32 v11, v35;
	vm11 =	vgt.f32 v22, $3.000000120e-01;
	v38 =	vmul.f32 v38, v30;
	v35 =	vpop (erf)  }
0x134: {  	v22 =	vsub.f32 v41, v34;
	vm10 =	vmor vm10, vm11;
	v30 =	vld [tilespmem:s9+$0x20];
	v35 =	vmul.f32 v35, v36;
	v34 =	vpop (erf)  }
0x135: {  	s17 =	sadd.s32 $0x4, s17;
	v36 =	vsel vm10, $0xBF800000, v42;
	vm11 =	vgt.f32 v38, $3.000000120e-01;
	v34 =	vmul.f32 v34, v37  }
0x136: {  	v6 =	vsub.f32 v31, v28;
	v7 =	vsub.f32 v33, v29;
	_ =	sdelay $0x1  }
0x137: {  	v6 =	vmax.f32 v6, $0.0e+00;
	v7 =	vmax.f32 v7, $0.0e+00  }
0x138: {  	v9 =	vsub.f32 v25, v23;
	v11 =	vsub.f32 v24, v21;
	v6 =	vmul.f32 v7, v6;
	_ =	sdelay $0x1  }
0x139: {  	v9 =	vmax.f32 v9, $0.0e+00;
	v11 =	vmax.f32 v11, $0.0e+00;
	v16 =	vsub.f32 v16, v6  }
0x13a: {  	v8 =	vsub.f32 v27, v26;
	v7 =	vsub.f32 v20, v19;
	v9 =	vmul.f32 v11, v9  }
0x13b: {  	v17 =	vsub.f32 v18, v17;
	v31 =	vadd.f32 $9.999999710e-10, v16  }
0x13c: {  	v8 =	vmax.f32 v8, $0.0e+00;
	v7 =	vmax.f32 v7, $0.0e+00;
	v15 =	vsub.f32 v15, v9  }
0x13d: {  	v7 =	vmul.f32 v7, v8;
	(erf) = vrcp.f32 v31  }
0x13e: {  	v33 =	vmax.f32 v22, $0.0e+00;
	v37 =	vmax.f32 v17, $0.0e+00;
	v39 =	vadd.f32 $9.999999710e-10, v15  }
0x13f: {  	v11 =	vmul.f32 v37, v33;
	v38 =	vsub.f32 v14, v7  }
0x140: {  	vm9 =	vmor vm9, vm11;
	v40 =	vld [tilespmem:s9+$0x30];
	(erf) = vrcp.f32 v39  }
0x141: {  	vm14 =	vgt.f32 v35, $3.000000120e-01;
	v13 =	vsub.f32 v13, v11;
	v8 =	vadd.f32 $9.999999710e-10, v38  }
0x142: {  	v41 =	vsel vm9, $0xBF800000, v32;
	vm8 =	vmor vm8, vm14  }
0x143: {  	[tilespmem:s9+$0x0] =	vst v36;
	vm15 =	vgt.f32 v34, $3.000000120e-01;
	v13 =	vadd.f32 $9.999999710e-10, v13;
	(erf) = vrcp.f32 v8  }
0x144: {  	[tilespmem:s9+$0x10] =	vst v41;
	vm7 =	vmor vm7, vm15;
	v42 =	vsel vm8, $0xBF800000, v30  }
0x145: {  	vm10 =	vgt.f32 v36, v12;
	[tilespmem:s9+$0x20] =	vst v42;
	v43 =	vsel vm7, $0xBF800000, v40;
	(erf) = vrcp.f32 v13  }
0x146: {  	s31 =	sadd.s32 $0x40, s15;
	v12 =	vsel vm10, v36, v12;
	[tilespmem:s9+$0x30] =	vst v43;
	v45 =	vpop (erf)  }
0x147: {  	v46 =	vor.u32 s31, v0;
	vm9 =	vgt.f32 v41, v12;
	v44 =	vld [tilespmem:s7+$0x0];
	v6 =	vmul.f32 v45, v6  }
0x148: {  	s16 =	sadd.s32 $0x20, s31;
	vm11 =	veq.s32 v46, v5;
	v12 =	vsel vm9, v41, v12  }
0x149: {  	vm7 =	vgt.f32 v42, v12;
	s9 =	sadd.s32 $0x10, s31;
	v48 =	vld [tilespmem:s7+$0x10];
	v49 =	vpop (erf);
	vm12 =	vgt.f32 v6, $3.000000120e-01;
	v6 =	vor.u32 s16, v0  }
0x14a: {  	v50 =	vor.u32 s9, v0;
	v8 =	vsel vm7, v42, v12;
	v9 =	vmul.f32 v49, v9  }
0x14b: {  	vm8 =	vgt.f32 v43, v8;
	vm11 =	vmor vm11, vm12;
	vm12 =	veq.s32 v6, v5  }
0x14c: {  	v51 =	vld [tilespmem:s7+$0x20];
	vm13 =	vgt.f32 v9, $3.000000120e-01;
	v12 =	vsel vm11, $0xBF800000, v44;
	vm11 =	veq.s32 v50, v5;
	v6 =	vpop (erf)  }
0x14d: {  	s15 =	sadd.s32 $0x30, s31;
	v8 =	vsel vm8, v43, v8;
	vm11 =	vmor vm11, vm13;
	v6 =	vmul.f32 v6, v7  }
0x14e: {  	v47 =	vor.u32 s15, v0;
	v52 =	vld [tilespmem:s7+$0x30];
	vm14 =	vgt.f32 v12, v8;
	v7 =	vpop (erf);
	v53 =	vsel vm11, $0xBF800000, v48  }
0x14f: {  	v7 =	vmul.f32 v7, v11;
	vm13 =	vgt.f32 v6, $3.000000120e-01;
	v6 =	vsel vm14, v12, v8  }
0x150: {  	vm11 =	veq.s32 v47, v5;
	vm12 =	vmor vm12, vm13;
	vm13 =	vgt.f32 v53, v6  }
0x151: {  	v5 =	vsel vm12, $0xBF800000, v51;
	vm12 =	vgt.f32 v7, $3.000000120e-01;
	v6 =	vsel vm13, v53, v6  }
0x152: {  	vm11 =	vmor vm11, vm12;
	vm12 =	vgt.f32 v5, v6  }
0x153: {  	v6 =	vsel vm12, v5, v6;
	v7 =	vsel vm11, $0xBF800000, v52  }
0x154: {  	vm11 =	vgt.f32 v7, v6  }
0x155: {  	v6 =	vsel vm11, v7, v6  }
0x156: {  	v54 =	vperm.xlane v6, v1;
	_ =	sdelay $0x1  }
0x157: {  	v9 =	vmax.f32 v6, v54  }
0x158: {  	v55 =	vperm.xlane v9, v2;
	_ =	sdelay $0x1  }
0x159: {  	v10 =	vsel vm10, s14, v10;
	s16 =	sadd.s32 $0x1, s14;
	v9 =	vmax.f32 v9, v55  }
0x15a: {  	s17 =	sadd.s32 $0x2, s14;
	v10 =	vsel vm9, s16, v10;
	v11 =	vperm.xlane v9, v3  }
0x15b: {  	s18 =	sadd.s32 $0x3, s14;
	v10 =	vsel vm7, s17, v10  }
0x15c: {  	v10 =	vsel vm8, s18, v10;
	v9 =	vmax.f32 v9, v11  }
0x15d: {  	s19 =	sadd.s32 $0x1, s13;
	v10 =	vsel vm14, s13, v10;
	v11 =	vperm.xlane v9, v4  }
0x15e: {  	s20 =	sadd.s32 $0x2, s13;
	v10 =	vsel vm13, s19, v10  }
0x15f: {  	s21 =	sadd.s32 $0x3, s13;
	v10 =	vsel vm12, s20, v10;
	v9 =	vmax.f32 v9, v11  }
0x160: {  	v10 =	vsel vm11, s21, v10;
	vm7 =	veq.f32 v6, v9  }
0x161: {  	v6 =	vnsel vm7, $0x51, v10  }
0x162: {  	v56 =	vperm.xlane v6, v1;
	_ =	sdelay $0x1  }
0x163: {  	vm8 =	vlt.s32 v6, v56  }
0x164: {  	v6 =	vsel vm8, v6, v56  }
0x165: {  	v11 =	vperm.xlane v6, v2;
	_ =	sdelay $0x1  }
0x166: {  	vm8 =	vlt.s32 v6, v11  }
0x167: {  	v6 =	vsel vm8, v6, v11  }
0x168: {  	v11 =	vperm.xlane v6, v3;
	_ =	sdelay $0x1  }
0x169: {  	vm8 =	vlt.s32 v6, v11  }
0x16a: {  	v6 =	vsel vm8, v6, v11  }
0x16b: {  	v11 =	vperm.xlane v6, v4;
	_ =	sdelay $0x1  }
0x16c: {  	vm8 =	vlt.s32 v6, v11  }
0x16d: {  	v6 =	vsel vm8, v6, v11  }
0x16e: {  	vm8 =	veq.s32 v10, v6  }
0x16f: {  	vm7 =	vmand vm7, vm8  }
0x170: {  	v57 =	vnsel vm7, $0x7F, v0  }
0x171: {  	v58 =	vperm.xlane v57, v1;
	_ =	sdelay $0x1  }
0x172: {  	vm7 =	vlt.s32 v57, v58  }
0x173: {  	v10 =	vsel vm7, v57, v58  }
0x174: {  	v11 =	vperm.xlane v10, v2;
	_ =	sdelay $0x1  }
0x175: {  	vm7 =	vlt.s32 v10, v11  }
0x176: {  	v10 =	vsel vm7, v10, v11  }
0x177: {  	v11 =	vperm.xlane v10, v3;
	_ =	sdelay $0x1  }
0x178: {  	vm7 =	vlt.s32 v10, v11  }
0x179: {  	v10 =	vsel vm7, v10, v11  }
0x17a: {  	(v2sf) =	vpush v6, $0x0;
	v6 =	vperm.xlane v10, v4;
	_ =	sdelay $0x1  }
0x17b: {  	vm7 =	vlt.s32 v10, v6  }
0x17c: {  	v6 =	vsel vm7, v10, v6  }
0x17d: {  	(v2sf) =	vpush v6, $0x0;
	_ =	sdelay $0x8  }
0x17e: {  	[tilespmem:s7+$0x0] =	vst v12  }
0x17f: {  	[tilespmem:s7+$0x10] =	vst v53  }
0x180: {  	[tilespmem:s7+$0x20] =	vst v5;
	s22 =	spop (v2sf)  }
0x181: {  	[tilespmem:s7+$0x30] =	vst v7;
	s23 =	sshll.u32 s22, $0x4  }
0x182: {  	v5 =	vld [tilespmem:s23+$0x500];
	_ =	sdelay $0x1  }
0x183: {  	v7 =	vld [tilespmem:s23+$0xA00];
	s25 =	sadd.s32 s2, s23;
	s24 =	spop (v2sf)  }
0x184: {  	s9 =	sadd.s32 s24, s25  }
0x185: {  	v8 =	vld [tilespmem:s23+$0xF00];
	v6 =	vand.u32 $0xF, v6;
	s9 =	scvt.s32.f32 s9  }
0x186: {  	v5 =	vperm.xlane v5, v6  }
0x187: {  	v9 =	vnsel vm0, $0x0, v9;
	v59 =	vld [tilespmem:s23+$0x1400];
	v60 =	vmov s9  }
0x188: {  	v7 =	vperm.xlane v7, v6;
	v5 =	vbroadcast v5, $0x0;
	v11 =	vnsel vm1, $0x0, v60  }
0x189: {  	v61 =	vld [tilespmem:s23+$0x1900];
	v9 =	vadd.f32 v11, v9  }
0x18a: {  	v8 =	vperm.xlane v8, v6;
	v7 =	vbroadcast v7, $0x0;
	v5 =	vnsel vm2, $0x0, v5  }
0x18b: {  	v5 =	vadd.f32 v9, v5  }
0x18c: {  	v62 =	vperm.xlane v59, v6;
	v8 =	vbroadcast v8, $0x0;
	v7 =	vnsel vm3, $0x0, v7  }
0x18d: {  	v5 =	vadd.f32 v5, v7  }
0x18e: {  	v6 =	vperm.xlane v61, v6;
	v63 =	vbroadcast v62, $0x0;
	v7 =	vnsel vm4, $0x0, v8  }
0x18f: {  	v5 =	vadd.f32 v5, v7  }
0x190: {  	v6 =	vbroadcast v6, $0x0;
	v7 =	vnsel vm5, $0x0, v63  }
0x191: {  	v5 =	vadd.f32 v5, v7  }
0x192: {  	s26 =	sshll.u32 s8, $0x8;
	v6 =	vnsel vm6, $0x0, v6  }
0x193: {  	s7 =	sand.u32 $0x100, s26;
	v5 =	vadd.f32 v5, v6  }
0x194: {  	s7 =	sadd.s32 s7, s1  }
0x195: {  	s28 =	sadd.s32 s10, s7;
	[tilespmem:$0x4C00] =	vst v5  }
0x196: {  	[spmem:s28] =	stream.linear.scatter [tilespmem:s11], [sflag:$0x1], $0x10, $0x38;
	[tilespmem:$0x5320] =	vst v63  }
0x197: {  	_ =	swait.ge [sflag:s12], $0x10  }
0x198: {  	[sflag:s12] =	ssyncset.done $0x0  }
0x199: {  	[sflag:s12] =	ssyncadd.s32 $0xFFFFFFF0  }
0x19a: {  	s29 =	simm.s32 $0x4B00;
	[bflag:$0x0] =	sbarrier.arrive $0xFFFF  }
0x19b: {  	[tilespmem:s29], [sflag:$0x1] =	stream.linear.gather [spmem:s7], $0x100, $0x38;
	[tilespmem:$0x5320] =	vst v63  }
0x19c: {  	_ =	swait.ge [sflag:s12], $0x100  }
0x19d: {  	[sflag:s12] =	ssyncset.done $0x0  }
0x19e: {  	[sflag:s12] =	ssyncadd.s32 $0xFFFFFF00  }
0x19f: {  	v5 =	vld [tilespmem:s29+$0x0];
	_ =	sdelay $0x4  }
0x1a0: {  	(v2sf) =	vpush v5, $0x0  }
0x1a1: {  	(v2sf) =	vpush v5, $0x1;
	_ =	sdelay $0x5  }
0x1a2: {  	s30 =	simm.s32 $0x4B10  }
0x1a3: {  	v5 =	vld [tilespmem:s30+$0x0]  }
0x1a4: {  	s31 =	simm.s32 $0x4B20  }
0x1a5: {  	v6 =	vld [tilespmem:s31+$0x0];
	_ =	sdelay $0x2  }
0x1a6: {  	(v2sf) =	vpush v5, $0x0  }
0x1a7: {  	(v2sf) =	vpush v5, $0x1  }
0x1a8: {  	s18 =	spop (v2sf);
	(v2sf) =	vpush v6, $0x0  }
0x1a9: {  	s19 =	spop (v2sf);
	(v2sf) =	vpush v6, $0x1;
	_ =	sdelay $0x4  }
0x1aa: {  	s15 =	simm.s32 $0x2;
	s20 =	simm.s32 $0x4B30  }
0x1ab: {  	s14 =	simm.s32 $0x1;
	s16 =	simm.s32 $0x3;
	s17 =	simm.s32 $0x0;
	v5 =	vld [tilespmem:s20+$0x0]  }
0x1ac: {  	s13 =	simm.s32 $0x0;
	s9 =	simm.f32 $-3.000000000e+00;
	s7 =	simm.f32 $3.000000000e+07  }
0x1ad: {  	s21 =	simm.s32 $0x4;
	p2 =	seq.f32 s18, s9;
	p3 =	slt.f32 s19, s7  }
.LBB2_6:
0x1ae: {  	p1 =	sne.s32 s21, $0xF;
	s22 =	smov.u32 s14;
	s14 =	smov.u32 s15  }
0x1af: {  	p4 =	sgt.f32 s18, s9;
	s15 =	smov.u32 s16;
	p2 =	por !p2, !p3  }
.Ltmp4:
0x1b0: {  	s16 =	smov.u32 s21;
	(v2sf) =	vpush v5, $0x0;
	p2 =	por !p2, !p2;
	(pc) =	sbr.rel @p1 .LBB2_6-.Ltmp4, $4  }
0x1b1: {  	s20 =	sadd.s32 $0x10, s20;
	s23 =	spop (v2sf);
	p2 =	por p4, p2  }
0x1b2: {  	(v2sf) =	vpush v5, $0x1;
	v5 =	vld [tilespmem:s20+$0x0];
	s9 =	smov.u32 @p2 s18;
	s7 =	smov.u32 @p2 s19;
	s18 =	smov.u32 s23  }
0x1b3: {  	s13 =	smov.u32 @p2 s17;
	s17 =	smov.u32 s22;
	s19 =	spop (v2sf)  }
0x1b4: {  	s21 =	sadd.s32 $0x1, s21;
	p2 =	seq.f32 s18, s9;
	p3 =	slt.f32 s19, s7  }
0x1b5: {  	_ =	sdelay $0x1  }
0x1b6: {  	(v2sf) =	vpush v5, $0x0  }
0x1b7: {  	p1 =	sgt.f32 s18, s9;
	s20 =	spop (v2sf);
	p2 =	por !p2, !p3;
	(v2sf) =	vpush v5, $0x1  }
0x1b8: {  	p2 =	por !p2, !p2  }
0x1b9: {  	p1 =	por p1, p2  }
0x1ba: {  	s9 =	smov.u32 @p1 s18;
	s7 =	smov.u32 @p1 s19;
	s18 =	spop (v2sf)  }
0x1bb: {  	p5 =	seq.f32 s20, s9;
	p6 =	slt.f32 s18, s7  }
0x1bc: {  	_ = 	snop  }
0x1bd: {  	p4 =	sgt.f32 s20, s9;
	p2 =	por !p5, !p6  }
0x1be: {  	p2 =	por !p2, !p2  }
0x1bf: {  	p2 =	por p4, p2;
	s19 =	spop (v2sf)  }
0x1c0: {  	s9 =	smov.u32 @p2 s20;
	s7 =	smov.u32 @p2 s18;
	s18 =	spop (v2sf)  }
0x1c1: {  	p4 =	seq.f32 s19, s9;
	p6 =	slt.f32 s18, s7  }
0x1c2: {  	_ = 	snop  }
0x1c3: {  	p5 =	sgt.f32 s19, s9;
	p3 =	por !p4, !p6  }
0x1c4: {  	p3 =	por !p3, !p3  }
0x1c5: {  	p3 =	por p5, p3;
	s20 =	spop (v2sf)  }
0x1c6: {  	s9 =	smov.u32 @p3 s19;
	s7 =	smov.u32 @p3 s18;
	s18 =	spop (v2sf)  }
0x1c7: {  	p5 =	seq.f32 s20, s9;
	p6 =	slt.f32 s18, s7  }
0x1c8: {  	_ = 	snop  }
0x1c9: {  	s13 =	smov.u32 @p1 s17;
	p5 =	por !p5, !p6;
	p6 =	sgt.f32 s20, s9  }
0x1ca: {  	s13 =	smov.u32 @p2 s14;
	p1 =	por !p5, !p5  }
0x1cb: {  	s13 =	smov.u32 @p3 s15;
	p1 =	por p6, p1  }
0x1cc: {  	s13 =	smov.u32 @p1 s16  }
0x1cd: {  	s13 =	sshll.u32 s13, $0x4  }
0x1ce: {  	s13 =	sand.u32 $0x3FFFFFF0, s13  }
0x1cf: {  	v5 =	vld [tilespmem:s13+$0x4B00];
	_ =	sdelay $0x4  }
0x1d0: {  	(v2sf) =	vpush v5, $0x2  }
0x1d1: {  	(v2sf) =	vpush v5, $0x3  }
0x1d2: {  	(v2sf) =	vpush v5, $0x4  }
0x1d3: {  	(v2sf) =	vpush v5, $0x5  }
0x1d4: {  	(v2sf) =	vpush v5, $0x6;
	_ =	sdelay $0xa  }
.Ltmp5:
0x1d5: {  	s17 =	spop (v2sf);
	(pc) =	sbr.rel @!p0 .LBB2_8-.Ltmp5, $4  }
0x1d6: {  	s16 =	spop (v2sf)  }
0x1d7: {  	s15 =	spop (v2sf)  }
0x1d8: {  	s14 =	spop (v2sf)  }
0x1d9: {  	s9 =	smov.u32 @p1 s20;
	s7 =	smov.u32 @p1 s18;
	s13 =	spop (v2sf)  }
0x1da: {  	s8 =	sadd.s32 $0x1, s8  }
0x1db: {  	p1 =	seq.s32 s8, $0x64  }
.Ltmp6:
0x1dc: {  	_ = 	snop;
	(pc) =	sbr.rel @!p1 .LBB2_9-.Ltmp6, $4  }
.Ltmp7:
0x1dd: {  	_ = 	snop;
	(pc) =	sbr.rel @p1 .LBB2_12-.Ltmp7, $4  }
0x1de: {  	_ = 	snop  }
0x1df: {  	_ = 	snop  }
0x1e0: {  	_ = 	snop  }
0x1e1: {  	_ = 	snop  }
.LBB2_11:
0x1e2: {  	s1 =	simm.s32 $0x0;
	s2 =	simm.s32 $0x4C80;
	s31 =	simm.s32 $0x1  }
0x1e3: {  	[hbm4b:s6+s1] =	stream.linear.scatter [tilespmem:s2], [sflag:$0x1], $0x680, $0x38;
	[tilespmem:$0x5320] =	vst v63  }
0x1e4: {  	_ =	swait.ge [sflag:s31], $0x680  }
0x1e5: {  	[sflag:s31] =	ssyncset.done $0x0  }
0x1e6: {  	[sflag:s31] =	ssyncadd.s32 $0xFFFFF980  }
.LBB2_12:
0x1e7: {  	_ =	sfence.sel $0x180000  }
0x1e8: {  	[bflag:$0x0] =	sbarrier.arrive $0xFFFF  }
0x1e9: {  	_ =	strace $0x90000047  }
0x1ea: {  	s0 =	sadd.s32 @!p0 $0x100000, s0;
	[bflag:$0x2] =	sbarrier.arrive $0xFFFF  }
0x1eb: {  	[sflag:s0] =	ssyncadd.tile.s32 @!p0 $0x1;
	_ =	shalt  }
.Lfunc_end2:
_tile_overlayer_lowered:
.L_overlay_start_2:
0x1ec: {  	(tag) =	ssettag $0x2  }
0x1ed: {  	s0 =	rddreg [dreg:$0x0];
	s2 =	stileid.u32  }
0x1ee: {  	s1 =	rddreg [dreg:$0x1];
	p0 =	sne.s32 s2, $0x0  }
0x1ef: {  	s3 =	rddreg [dreg:$0x2];
	[bflag:$0x3] =	sbarrier.arrive $0xFFFF;
	s2 =	simm.s32 @!p0 $0x1C01  }
0x1f0: {  	[timem:s3], [sflag:s2] =	dma.local @!p0 [hbm:s0], s1  }
0x1f1: {  	s0 =	simm.s32 @!p0 $0x1  }
0x1f2: {  	_ =	swait.ge @!p0 [sflag:s0], s1  }
0x1f3: {  	s1 =	ssub.s32 @!p0 $0x0, s1;
	[sflag:s0] =	ssyncset.done @!p0 $0x0  }
0x1f4: {  	[sflag:s0] =	ssyncadd.s32 @!p0 s1  }
0x1f5: {  	[bflag:$0x3] =	sbarrier.arrive $0xFFFF  }
0x1f6: {  	_ =	shalt  }

</sc_bundles>
